<compile_context>
chip_gen: v7x
topology: tpu7x:2x2x1
jax: 0.10.2.dev20260603
libtpu: 0.0.44.dev20260713+nightly
codegen_flags: <defaults>
</compile_context>

<pallas_src>
import numpy as np
import jax
import jax.numpy as jnp
from jax import lax
from jax.experimental import pallas as pl
from jax.experimental.pallas import tpu as pltpu
from jax.experimental.pallas import tpu_sc as plsc

_ELT = 64
_ROW = 65536
_T2 = np.float32((2.0 * np.sin(np.radians(10.0) / 2.0)) ** 2)

_TCS = 56
_SCS = _ELT - _TCS
_SPB = 8

_C = 1024
_R = _ELT * _ROW // _C
_RSEG = _ROW // _C

_NC, _NS, _L = 2, 16, 16
_NW = _NC * _NS
_WPS = _NW // _SCS
_WROWS = _RSEG // _WPS
_PRW = 8
_NCHUNK = _WROWS // _PRW

_LN2 = np.float32(0.6931471805599453)
_SQRT2 = np.float32(1.4142135623730951)


def _tc_body(p_ref, o_ref, h_ref, lam_ref, out_ref):
    d = p_ref[...] - o_ref[...]
    d2 = d * d
    s2 = d2[0] + d2[1] + d2[2]
    for i in range(_SPB):
        h = h_ref[i, 0, 0]
        lam = lam_ref[i, 0, 0]
        s2i = s2[i * _RSEG:(i + 1) * _RSEG]
        p = h * jnp.exp(s2i * (-1.0 / _T2) * lam) + (1.0 - h)
        log_p = jnp.where(s2i < _T2, jnp.log(p), 0.0)
        out_ref[i, :, :] = jnp.sum(log_p, dtype=jnp.float32)[None, None] * jnp.ones(
            (1, 128), jnp.float32)


def _softlog(p):
    bits = lax.bitcast_convert_type(p, jnp.int32)
    e = jnp.right_shift(bits, 23) - 127
    m = lax.bitcast_convert_type((bits & 0x007FFFFF) | 0x3F800000, jnp.float32)
    big = m > _SQRT2
    m = jnp.where(big, m * np.float32(0.5), m)
    ef = (e + jnp.where(big, 1, 0)).astype(jnp.float32)
    f = m - np.float32(1.0)
    t = f / (np.float32(2.0) + f)
    t2 = t * t
    poly = np.float32(2.0) + t2 * (
        np.float32(2.0 / 3.0) + t2 * (
            np.float32(0.4) + t2 * (
                np.float32(2.0 / 7.0) + t2 * np.float32(2.0 / 9.0))))
    return t * poly + ef * _LN2


def _sc_body(pt, ot, hb, ceb, out_hbm, buf, hv, cev, outv):
    wid = lax.axis_index("s") * _NC + lax.axis_index("c")
    seg = _TCS + wid // _WPS
    part = wid % _WPS
    pltpu.sync_copy(hb.at[pl.ds(seg * _L, _L)], hv)
    pltpu.sync_copy(ceb.at[pl.ds(seg * _L, _L)], cev)
    hvec = hv[...]
    cevec = cev[...]
    omh = np.float32(1.0) - hvec
    row_base = seg * _RSEG + part * _WROWS

    def chunk_body(k, acc):
        row0 = row_base + k * _PRW
        for c in range(3):
            pltpu.sync_copy(pt.at[c, pl.ds(row0, _PRW)], buf.at[c])
            pltpu.sync_copy(ot.at[c, pl.ds(row0, _PRW)], buf.at[3 + c])

        def inner(i, acc):
            sl = pl.ds(i * _L, _L)
            for r in range(_PRW):
                dx = buf[0, r, sl] - buf[3, r, sl]
                dy = buf[1, r, sl] - buf[4, r, sl]
                dz = buf[2, r, sl] - buf[5, r, sl]
                s2 = dx * dx + dy * dy + dz * dz
                pe = hvec * jnp.exp(s2 * cevec) + omh
                pe = jnp.where(s2 < _T2, pe, np.float32(1.0))
                acc = acc + _softlog(pe)
            return acc

        return lax.fori_loop(0, _C // _L, inner, acc)

    acc = lax.fori_loop(0, _NCHUNK, chunk_body, jnp.zeros((_L,), jnp.float32))
    outv[...] = acc
    pltpu.sync_copy(outv, out_hbm.at[pl.ds(wid * _L, _L)])


@jax.jit
def kernel(u_pred, u_obs, h, lam):
    pt3 = u_pred.T.reshape(3, _R, _C)
    ot3 = u_obs.T.reshape(3, _R, _C)

    hb = jnp.broadcast_to(h[:, None], (_ELT, _L)).reshape(_ELT * _L)
    ceb = jnp.broadcast_to((lam * (-1.0 / _T2))[:, None],
                           (_ELT, _L)).reshape(_ELT * _L)

    mesh = plsc.VectorSubcoreMesh(core_axis_name="c", subcore_axis_name="s")
    out_sc = pl.kernel(
        _sc_body,
        mesh=mesh,
        out_type=jax.ShapeDtypeStruct((_NW * _L,), jnp.float32),
        scratch_types=[
            pltpu.VMEM((6, _PRW, _C), jnp.float32),
            pltpu.VMEM((_L,), jnp.float32),
            pltpu.VMEM((_L,), jnp.float32),
            pltpu.VMEM((_L,), jnp.float32),
        ],
    )(pt3, ot3, hb, ceb)

    hb3 = jnp.broadcast_to(h[:, None, None], (_ELT, 1, 128))
    lb3 = jnp.broadcast_to(lam[:, None, None], (_ELT, 1, 128))
    out_tc = pl.pallas_call(
        _tc_body,
        grid=(_TCS // _SPB,),
        in_specs=[
            pl.BlockSpec((3, _SPB * _RSEG, _C), lambda e: (0, e, 0)),
            pl.BlockSpec((3, _SPB * _RSEG, _C), lambda e: (0, e, 0)),
            pl.BlockSpec((_SPB, 1, 128), lambda e: (e, 0, 0)),
            pl.BlockSpec((_SPB, 1, 128), lambda e: (e, 0, 0)),
        ],
        out_specs=pl.BlockSpec((_SPB, 1, 128), lambda e: (e, 0, 0)),
        out_shape=jax.ShapeDtypeStruct((_TCS, 1, 128), jnp.float32),
    )(pt3, ot3, hb3, lb3)

    sc_sums = out_sc.reshape(_SCS, _WPS * _L).sum(axis=1)
    return jnp.concatenate([out_tc[:, 0, 0], sc_sums])

# --- scband reference (transcript-rebuilt; emitter-appended) ---
"""Pipeline reference for scband-trajectory-score-79568564125761 (READ-ONLY COPY).

The authoritative reference and input builder live on the scoring server;
editing this copy changes nothing except your own understanding.
"""

import jax, jax.numpy as jnp
import numpy as np

ELT_BATCH = 64
ROW_LEN = 65536
DATA_SIZE = ELT_BATCH * ROW_LEN
SPACE_DIMS = 3
THRESH_DEG = 10.0

ROW_LENGTHS = np.full(ELT_BATCH, ROW_LEN, dtype=np.int32)


def deg2dist(deg):
    # chordal distance corresponding to an angle in degrees on the unit sphere
    return 2.0 * np.sin(np.radians(deg) / 2.0)

THRESH_S = np.float32(deg2dist(THRESH_DEG))
THRESH_S2 = np.float32(THRESH_S ** 2)


def setup_inputs(seed: int = 0) -> dict:
    key = jax.random.key(seed)
    k1, k2, k3, k4 = jax.random.split(key, 4)
    u_pred = jax.random.uniform(k1, (DATA_SIZE, SPACE_DIMS), dtype=jnp.float32)
    u_obs = jax.random.uniform(k2, (DATA_SIZE, SPACE_DIMS), dtype=jnp.float32)
    h = jax.random.uniform(k3, (ELT_BATCH,), dtype=jnp.float32)
    lam = jax.random.uniform(k4, (ELT_BATCH,), dtype=jnp.float32)
    return {"u_pred": u_pred, "u_obs": u_obs, "h": h, "lam": lam}


def reference(u_pred, u_obs, h, lam):
    # du and squared chordal distance per observation
    du = u_pred - u_obs
    s2 = jnp.sum(jnp.square(du), axis=-1)
    is_close = s2 < THRESH_S2
    # normalized distance v = s2 / thresh_s2 (original only computes it on the
    # masked subset; computing everywhere and masking the log-prob contribution
    # is mathematically identical because excluded entries contribute 0)
    v = s2 / THRESH_S2
    # segment id of each observation (ragged row structure, constant)
    seg_ids = jnp.repeat(jnp.arange(ELT_BATCH, dtype=jnp.int32), ROW_LENGTHS)
    # repeat per-element mixture params over their observations
    h_all = jnp.repeat(h, ROW_LENGTHS)
    lam_all = jnp.repeat(lam, ROW_LENGTHS)
    # mixture model: p_hit = h * exp(-lam * v); p_miss = 1 - h; p = p_hit + p_miss
    p_hit_cond = jnp.exp(-lam_all * v)
    p = h_all * p_hit_cond + (1.0 - h_all)
    log_p = jnp.where(is_close, jnp.log(p), 0.0)
    # ragged reduce_sum over each element's close observations
    log_like = jax.ops.segment_sum(log_p, seg_ids, num_segments=ELT_BATCH)
    return log_like

if __name__ == "__main__":
    import jax
    _d = setup_inputs()
    print(jax.jit(kernel)(*tuple(_d.values())))

</pallas_src>

<mosaic_0001>
#map = affine_map<(d0, d1) -> (0, 0, 0)>
#map1 = affine_map<(d0, d1) -> (0)>
module attributes {stable_mosaic.version = 14 : i64} {
  func.func @_sc_body(%arg0: i32, %arg1: i32, %arg2: memref<3x4096x1024xf32, #tpu.memory_space<hbm>>, %arg3: memref<3x4096x1024xf32, #tpu.memory_space<hbm>>, %arg4: memref<1024xf32, #tpu.memory_space<hbm>>, %arg5: memref<1024xf32, #tpu.memory_space<hbm>>, %arg6: memref<512xf32, #tpu.memory_space<hbm>>, %arg7: memref<6x8x1024xf32, #tpu.memory_space<vmem>>, %arg8: memref<16xf32, #tpu.memory_space<vmem>>, %arg9: memref<16xf32, #tpu.memory_space<vmem>>, %arg10: memref<16xf32, #tpu.memory_space<vmem>>) attributes {dimension_semantics = [#tpu.dimension_semantics<core_parallel>, #tpu.dimension_semantics<subcore_parallel>], iteration_bounds = array<i64: 2, 16>, scalar_prefetch = 0 : i64, scratch_operands = 4 : i64, tpu.core_type = #tpu.core_type<sc_vector_subcore>, window_params = [{transform_indices = #map}, {transform_indices = #map}, {transform_indices = #map1}, {transform_indices = #map1}, {transform_indices = #map1}]} {
    %mul3A = arith.constant 2 : i32
    %mul3A_0 = arith.muli %arg1, %mul3A : i32
    %add3A = arith.addi %mul3A_0, %arg0 : i32
    %jit3A = arith.constant 4 : i32
    %div3A = arith.divsi %add3A, %jit3A : i32
    %sign3A = arith.constant 0 : i32
    %sign3A_1 = arith.cmpi sgt, %add3A, %sign3A : i32
    %sign3A_2 = arith.extui %sign3A_1 : i1 to i32
    %sign3A_3 = arith.constant 0 : i32
    %sign3A_4 = arith.cmpi slt, %add3A, %sign3A_3 : i32
    %sign3A_5 = arith.extui %sign3A_4 : i1 to i32
    %sign3A_6 = arith.subi %sign3A_2, %sign3A_5 : i32
    %sign3A_7 = arith.constant 0 : i32
    %sign3A_8 = arith.cmpi sgt, %jit3A, %sign3A_7 : i32
    %sign3A_9 = arith.extui %sign3A_8 : i1 to i32
    %sign3A_10 = arith.constant 0 : i32
    %sign3A_11 = arith.cmpi slt, %jit3A, %sign3A_10 : i32
    %sign3A_12 = arith.extui %sign3A_11 : i1 to i32
    %sign3A_13 = arith.subi %sign3A_9, %sign3A_12 : i32
    %ne3A = arith.cmpi ne, %sign3A_6, %sign3A_13 : i32
    %rem3A = arith.remsi %add3A, %jit3A : i32
    %ne3A_14 = arith.constant 0 : i32
    %ne3A_15 = arith.cmpi ne, %rem3A, %ne3A_14 : i32
    %and3A = arith.andi %ne3A, %ne3A_15 : i1
    %sub3A = arith.constant 1 : i32
    %sub3A_16 = arith.subi %div3A, %sub3A : i32
    %select_n3A = arith.select %and3A, %sub3A_16, %div3A : i32
    %add3A_17 = arith.constant 56 : i32
    %add3A_18 = arith.addi %add3A_17, %select_n3A : i32
    %jit3A_19 = arith.constant 4 : i32
    %eq3A = arith.constant 0 : i32
    %eq3A_20 = arith.cmpi eq, %jit3A_19, %eq3A : i32
    %jit3A_21 = arith.constant 1 : i32
    %select_n3A_22 = arith.select %eq3A_20, %jit3A_21, %jit3A_19 : i32
    %rem3A_23 = arith.remsi %add3A, %select_n3A_22 : i32
    %ne3A_24 = arith.constant 0 : i32
    %ne3A_25 = arith.cmpi ne, %rem3A_23, %ne3A_24 : i32
    %lt3A = arith.constant 0 : i32
    %lt3A_26 = arith.cmpi slt, %rem3A_23, %lt3A : i32
    %lt3A_27 = arith.constant 0 : i32
    %lt3A_28 = arith.cmpi slt, %select_n3A_22, %lt3A_27 : i32
    %ne3A_29 = arith.xori %lt3A_26, %lt3A_28 : i1
    %and3A_30 = arith.andi %ne3A_29, %ne3A_25 : i1
    %add3A_31 = arith.addi %rem3A_23, %select_n3A_22 : i32
    %select_n3A_32 = arith.select %and3A_30, %add3A_31, %rem3A_23 : i32
    %mul3A_33 = arith.constant 16 : i32
    %mul3A_34 = arith.muli %add3A_18, %mul3A_33 : i32
    "tpu.region"() ({
      %run_scoped3A = tpu.sem_alloc : memref<!tpu.dma_semaphore, #tpu.memory_space<semaphore_mem>>
      %dma_start3A = tpu.memref_slice %arg4[%mul3A_34] : memref<1024xf32, #tpu.memory_space<hbm>> -> memref<16xf32, #tpu.memory_space<hbm>>
      %dma_start3A_61 = tpu.memref_slice %arg4[%mul3A_34] : memref<1024xf32, #tpu.memory_space<hbm>> -> memref<16xf32, #tpu.memory_space<hbm>>
      tpu.enqueue_dma source(%dma_start3A_61 : memref<16xf32, #tpu.memory_space<hbm>>) target(%arg8 : memref<16xf32, #tpu.memory_space<vmem>>) target_semaphore(%run_scoped3A : memref<!tpu.dma_semaphore, #tpu.memory_space<semaphore_mem>>)
      %dma_wait3A = tpu.memref_slice %arg4[%mul3A_34] : memref<1024xf32, #tpu.memory_space<hbm>> -> memref<16xf32, #tpu.memory_space<hbm>>
      %dma_wait3A_62 = tpu.memref_slice %arg4[%mul3A_34] : memref<1024xf32, #tpu.memory_space<hbm>> -> memref<16xf32, #tpu.memory_space<hbm>>
      tpu.wait_dma2 semaphore(%run_scoped3A : memref<!tpu.dma_semaphore, #tpu.memory_space<semaphore_mem>>) src(%dma_wait3A_62 : memref<16xf32, #tpu.memory_space<hbm>>) dst(%arg8 : memref<16xf32, #tpu.memory_space<vmem>>)
      tpu.yield
    }) : () -> ()
    %mul3A_35 = arith.constant 16 : i32
    %mul3A_36 = arith.muli %add3A_18, %mul3A_35 : i32
    "tpu.region"() ({
      %run_scoped3A = tpu.sem_alloc : memref<!tpu.dma_semaphore, #tpu.memory_space<semaphore_mem>>
      %dma_start3A = tpu.memref_slice %arg5[%mul3A_36] : memref<1024xf32, #tpu.memory_space<hbm>> -> memref<16xf32, #tpu.memory_space<hbm>>
      %dma_start3A_61 = tpu.memref_slice %arg5[%mul3A_36] : memref<1024xf32, #tpu.memory_space<hbm>> -> memref<16xf32, #tpu.memory_space<hbm>>
      tpu.enqueue_dma source(%dma_start3A_61 : memref<16xf32, #tpu.memory_space<hbm>>) target(%arg9 : memref<16xf32, #tpu.memory_space<vmem>>) target_semaphore(%run_scoped3A : memref<!tpu.dma_semaphore, #tpu.memory_space<semaphore_mem>>)
      %dma_wait3A = tpu.memref_slice %arg5[%mul3A_36] : memref<1024xf32, #tpu.memory_space<hbm>> -> memref<16xf32, #tpu.memory_space<hbm>>
      %dma_wait3A_62 = tpu.memref_slice %arg5[%mul3A_36] : memref<1024xf32, #tpu.memory_space<hbm>> -> memref<16xf32, #tpu.memory_space<hbm>>
      tpu.wait_dma2 semaphore(%run_scoped3A : memref<!tpu.dma_semaphore, #tpu.memory_space<semaphore_mem>>) src(%dma_wait3A_62 : memref<16xf32, #tpu.memory_space<hbm>>) dst(%arg9 : memref<16xf32, #tpu.memory_space<vmem>>)
      tpu.yield
    }) : () -> ()
    %get3A = arith.constant 0 : index
    %get3A_37 = tpu.vector_load %arg8[%get3A] {strides = array<i32>} : memref<16xf32, #tpu.memory_space<vmem>>, vector<16xf32>,
    %get3A_38 = vector.shape_cast %get3A_37 : vector<16xf32> to vector<16xf32>
    %get3A_39 = arith.constant 0 : index
    %get3A_40 = tpu.vector_load %arg9[%get3A_39] {strides = array<i32>} : memref<16xf32, #tpu.memory_space<vmem>>, vector<16xf32>,
    %get3A_41 = vector.shape_cast %get3A_40 : vector<16xf32> to vector<16xf32>
    %sub3A_42 = arith.constant 1.000000e+00 : f32
    %sub3A_43 = vector.broadcast %sub3A_42 : f32 to vector<16xf32>
    %sub3A_44 = arith.subf %sub3A_43, %get3A_38 : vector<16xf32>
    %mul3A_45 = arith.constant 64 : i32
    %mul3A_46 = arith.muli %add3A_18, %mul3A_45 : i32
    %mul3A_47 = arith.constant 16 : i32
    %mul3A_48 = arith.muli %select_n3A_32, %mul3A_47 : i32
    %add3A_49 = arith.addi %mul3A_46, %mul3A_48 : i32
    %broadcast_in_dim3A = arith.constant 0.000000e+00 : f32
    %broadcast_in_dim3A_50 = vector.broadcast %broadcast_in_dim3A : f32 to vector<16xf32>
    %scan3A = arith.constant 0 : i32
    %scan3A_51 = arith.constant 2 : i32
    %scan3A_52 = arith.addi %scan3A, %scan3A_51 : i32
    %scan3A_53 = arith.constant 1 : i32
    %scan3A_54 = scf.for %scan3A_61 = %scan3A to %scan3A_52 step %scan3A_53 iter_args(%scan3A_62 = %broadcast_in_dim3A_50) -> (vector<16xf32>)  : i32 {
      %mul3A_63 = arith.constant 8 : i32
      %mul3A_64 = arith.muli %scan3A_61, %mul3A_63 : i32
      %add3A_65 = arith.addi %add3A_49, %mul3A_64 : i32
      %run_scoped3A = arith.constant 0 : i32
      %run_scoped3A_66 = arith.constant 0 : i32
      "tpu.region"() ({
        %run_scoped3A_83 = tpu.sem_alloc : memref<!tpu.dma_semaphore, #tpu.memory_space<semaphore_mem>>
        %dma_start3A = arith.constant 0 : i32
        %dma_start3A_84 = arith.constant 0 : i32
        %dma_start3A_85 = tpu.memref_slice %arg7[%run_scoped3A_66, %dma_start3A, %dma_start3A_84] : memref<6x8x1024xf32, #tpu.memory_space<vmem>> -> memref<1x8x1024xf32, #tpu.memory_space<vmem>>
        %dma_start3A_86 = tpu.memref_squeeze %dma_start3A_85 : memref<1x8x1024xf32, #tpu.memory_space<vmem>> -> memref<8x1024xf32, #tpu.memory_space<vmem>>
        %dma_start3A_87 = arith.constant 0 : i32
        %dma_start3A_88 = tpu.memref_slice %arg2[%run_scoped3A, %add3A_65, %dma_start3A_87] : memref<3x4096x1024xf32, #tpu.memory_space<hbm>> -> memref<1x8x1024xf32, #tpu.memory_space<hbm>>
        %dma_start3A_89 = tpu.memref_squeeze %dma_start3A_88 : memref<1x8x1024xf32, #tpu.memory_space<hbm>> -> memref<8x1024xf32, #tpu.memory_space<hbm>>
        %dma_start3A_90 = arith.constant 0 : i32
        %dma_start3A_91 = arith.constant 0 : i32
        %dma_start3A_92 = tpu.memref_slice %arg7[%run_scoped3A_66, %dma_start3A_90, %dma_start3A_91] : memref<6x8x1024xf32, #tpu.memory_space<vmem>> -> memref<1x8x1024xf32, #tpu.memory_space<vmem>>
        %dma_start3A_93 = tpu.memref_squeeze %dma_start3A_92 : memref<1x8x1024xf32, #tpu.memory_space<vmem>> -> memref<8x1024xf32, #tpu.memory_space<vmem>>
        %dma_start3A_94 = arith.constant 0 : i32
        %dma_start3A_95 = tpu.memref_slice %arg2[%run_scoped3A, %add3A_65, %dma_start3A_94] : memref<3x4096x1024xf32, #tpu.memory_space<hbm>> -> memref<1x8x1024xf32, #tpu.memory_space<hbm>>
        %dma_start3A_96 = tpu.memref_squeeze %dma_start3A_95 : memref<1x8x1024xf32, #tpu.memory_space<hbm>> -> memref<8x1024xf32, #tpu.memory_space<hbm>>
        tpu.enqueue_dma source(%dma_start3A_96 : memref<8x1024xf32, #tpu.memory_space<hbm>>) target(%dma_start3A_93 : memref<8x1024xf32, #tpu.memory_space<vmem>>) target_semaphore(%run_scoped3A_83 : memref<!tpu.dma_semaphore, #tpu.memory_space<semaphore_mem>>)
        %dma_wait3A = arith.constant 0 : i32
        %dma_wait3A_97 = arith.constant 0 : i32
        %dma_wait3A_98 = tpu.memref_slice %arg7[%run_scoped3A_66, %dma_wait3A, %dma_wait3A_97] : memref<6x8x1024xf32, #tpu.memory_space<vmem>> -> memref<1x8x1024xf32, #tpu.memory_space<vmem>>
        %dma_wait3A_99 = tpu.memref_squeeze %dma_wait3A_98 : memref<1x8x1024xf32, #tpu.memory_space<vmem>> -> memref<8x1024xf32, #tpu.memory_space<vmem>>
        %dma_wait3A_100 = arith.constant 0 : i32
        %dma_wait3A_101 = tpu.memref_slice %arg2[%run_scoped3A, %add3A_65, %dma_wait3A_100] : memref<3x4096x1024xf32, #tpu.memory_space<hbm>> -> memref<1x8x1024xf32, #tpu.memory_space<hbm>>
        %dma_wait3A_102 = tpu.memref_squeeze %dma_wait3A_101 : memref<1x8x1024xf32, #tpu.memory_space<hbm>> -> memref<8x1024xf32, #tpu.memory_space<hbm>>
        %dma_wait3A_103 = arith.constant 0 : i32
        %dma_wait3A_104 = arith.constant 0 : i32
        %dma_wait3A_105 = tpu.memref_slice %arg7[%run_scoped3A_66, %dma_wait3A_103, %dma_wait3A_104] : memref<6x8x1024xf32, #tpu.memory_space<vmem>> -> memref<1x8x1024xf32, #tpu.memory_space<vmem>>
        %dma_wait3A_106 = tpu.memref_squeeze %dma_wait3A_105 : memref<1x8x1024xf32, #tpu.memory_space<vmem>> -> memref<8x1024xf32, #tpu.memory_space<vmem>>
        %dma_wait3A_107 = arith.constant 0 : i32
        %dma_wait3A_108 = tpu.memref_slice %arg2[%run_scoped3A, %add3A_65, %dma_wait3A_107] : memref<3x4096x1024xf32, #tpu.memory_space<hbm>> -> memref<1x8x1024xf32, #tpu.memory_space<hbm>>
        %dma_wait3A_109 = tpu.memref_squeeze %dma_wait3A_108 : memref<1x8x1024xf32, #tpu.memory_space<hbm>> -> memref<8x1024xf32, #tpu.memory_space<hbm>>
        tpu.wait_dma2 semaphore(%run_scoped3A_83 : memref<!tpu.dma_semaphore, #tpu.memory_space<semaphore_mem>>) src(%dma_wait3A_109 : memref<8x1024xf32, #tpu.memory_space<hbm>>) dst(%dma_wait3A_106 : memref<8x1024xf32, #tpu.memory_space<vmem>>)
        tpu.yield
      }) : () -> ()
      %run_scoped3A_67 = arith.constant 0 : i32
      %run_scoped3A_68 = arith.constant 3 : i32
      "tpu.region"() ({
        %run_scoped3A_83 = tpu.sem_alloc : memref<!tpu.dma_semaphore, #tpu.memory_space<semaphore_mem>>
        %dma_start3A = arith.constant 0 : i32
        %dma_start3A_84 = arith.constant 0 : i32
        %dma_start3A_85 = tpu.memref_slice %arg7[%run_scoped3A_68, %dma_start3A, %dma_start3A_84] : memref<6x8x1024xf32, #tpu.memory_space<vmem>> -> memref<1x8x1024xf32, #tpu.memory_space<vmem>>
        %dma_start3A_86 = tpu.memref_squeeze %dma_start3A_85 : memref<1x8x1024xf32, #tpu.memory_space<vmem>> -> memref<8x1024xf32, #tpu.memory_space<vmem>>
        %dma_start3A_87 = arith.constant 0 : i32
        %dma_start3A_88 = tpu.memref_slice %arg3[%run_scoped3A_67, %add3A_65, %dma_start3A_87] : memref<3x4096x1024xf32, #tpu.memory_space<hbm>> -> memref<1x8x1024xf32, #tpu.memory_space<hbm>>
        %dma_start3A_89 = tpu.memref_squeeze %dma_start3A_88 : memref<1x8x1024xf32, #tpu.memory_space<hbm>> -> memref<8x1024xf32, #tpu.memory_space<hbm>>
        %dma_start3A_90 = arith.constant 0 : i32
        %dma_start3A_91 = arith.constant 0 : i32
        %dma_start3A_92 = tpu.memref_slice %arg7[%run_scoped3A_68, %dma_start3A_90, %dma_start3A_91] : memref<6x8x1024xf32, #tpu.memory_space<vmem>> -> memref<1x8x1024xf32, #tpu.memory_space<vmem>>
        %dma_start3A_93 = tpu.memref_squeeze %dma_start3A_92 : memref<1x8x1024xf32, #tpu.memory_space<vmem>> -> memref<8x1024xf32, #tpu.memory_space<vmem>>
        %dma_start3A_94 = arith.constant 0 : i32
        %dma_start3A_95 = tpu.memref_slice %arg3[%run_scoped3A_67, %add3A_65, %dma_start3A_94] : memref<3x4096x1024xf32, #tpu.memory_space<hbm>> -> memref<1x8x1024xf32, #tpu.memory_space<hbm>>
        %dma_start3A_96 = tpu.memref_squeeze %dma_start3A_95 : memref<1x8x1024xf32, #tpu.memory_space<hbm>> -> memref<8x1024xf32, #tpu.memory_space<hbm>>
        tpu.enqueue_dma source(%dma_start3A_96 : memref<8x1024xf32, #tpu.memory_space<hbm>>) target(%dma_start3A_93 : memref<8x1024xf32, #tpu.memory_space<vmem>>) target_semaphore(%run_scoped3A_83 : memref<!tpu.dma_semaphore, #tpu.memory_space<semaphore_mem>>)
        %dma_wait3A = arith.constant 0 : i32
        %dma_wait3A_97 = arith.constant 0 : i32
        %dma_wait3A_98 = tpu.memref_slice %arg7[%run_scoped3A_68, %dma_wait3A, %dma_wait3A_97] : memref<6x8x1024xf32, #tpu.memory_space<vmem>> -> memref<1x8x1024xf32, #tpu.memory_space<vmem>>
        %dma_wait3A_99 = tpu.memref_squeeze %dma_wait3A_98 : memref<1x8x1024xf32, #tpu.memory_space<vmem>> -> memref<8x1024xf32, #tpu.memory_space<vmem>>
        %dma_wait3A_100 = arith.constant 0 : i32
        %dma_wait3A_101 = tpu.memref_slice %arg3[%run_scoped3A_67, %add3A_65, %dma_wait3A_100] : memref<3x4096x1024xf32, #tpu.memory_space<hbm>> -> memref<1x8x1024xf32, #tpu.memory_space<hbm>>
        %dma_wait3A_102 = tpu.memref_squeeze %dma_wait3A_101 : memref<1x8x1024xf32, #tpu.memory_space<hbm>> -> memref<8x1024xf32, #tpu.memory_space<hbm>>
        %dma_wait3A_103 = arith.constant 0 : i32
        %dma_wait3A_104 = arith.constant 0 : i32
        %dma_wait3A_105 = tpu.memref_slice %arg7[%run_scoped3A_68, %dma_wait3A_103, %dma_wait3A_104] : memref<6x8x1024xf32, #tpu.memory_space<vmem>> -> memref<1x8x1024xf32, #tpu.memory_space<vmem>>
        %dma_wait3A_106 = tpu.memref_squeeze %dma_wait3A_105 : memref<1x8x1024xf32, #tpu.memory_space<vmem>> -> memref<8x1024xf32, #tpu.memory_space<vmem>>
        %dma_wait3A_107 = arith.constant 0 : i32
        %dma_wait3A_108 = tpu.memref_slice %arg3[%run_scoped3A_67, %add3A_65, %dma_wait3A_107] : memref<3x4096x1024xf32, #tpu.memory_space<hbm>> -> memref<1x8x1024xf32, #tpu.memory_space<hbm>>
        %dma_wait3A_109 = tpu.memref_squeeze %dma_wait3A_108 : memref<1x8x1024xf32, #tpu.memory_space<hbm>> -> memref<8x1024xf32, #tpu.memory_space<hbm>>
        tpu.wait_dma2 semaphore(%run_scoped3A_83 : memref<!tpu.dma_semaphore, #tpu.memory_space<semaphore_mem>>) src(%dma_wait3A_109 : memref<8x1024xf32, #tpu.memory_space<hbm>>) dst(%dma_wait3A_106 : memref<8x1024xf32, #tpu.memory_space<vmem>>)
        tpu.yield
      }) : () -> ()
      %run_scoped3A_69 = arith.constant 1 : i32
      %run_scoped3A_70 = arith.constant 1 : i32
      "tpu.region"() ({
        %run_scoped3A_83 = tpu.sem_alloc : memref<!tpu.dma_semaphore, #tpu.memory_space<semaphore_mem>>
        %dma_start3A = arith.constant 0 : i32
        %dma_start3A_84 = arith.constant 0 : i32
        %dma_start3A_85 = tpu.memref_slice %arg7[%run_scoped3A_70, %dma_start3A, %dma_start3A_84] : memref<6x8x1024xf32, #tpu.memory_space<vmem>> -> memref<1x8x1024xf32, #tpu.memory_space<vmem>>
        %dma_start3A_86 = tpu.memref_squeeze %dma_start3A_85 : memref<1x8x1024xf32, #tpu.memory_space<vmem>> -> memref<8x1024xf32, #tpu.memory_space<vmem>>
        %dma_start3A_87 = arith.constant 0 : i32
        %dma_start3A_88 = tpu.memref_slice %arg2[%run_scoped3A_69, %add3A_65, %dma_start3A_87] : memref<3x4096x1024xf32, #tpu.memory_space<hbm>> -> memref<1x8x1024xf32, #tpu.memory_space<hbm>>
        %dma_start3A_89 = tpu.memref_squeeze %dma_start3A_88 : memref<1x8x1024xf32, #tpu.memory_space<hbm>> -> memref<8x1024xf32, #tpu.memory_space<hbm>>
        %dma_start3A_90 = arith.constant 0 : i32
        %dma_start3A_91 = arith.constant 0 : i32
        %dma_start3A_92 = tpu.memref_slice %arg7[%run_scoped3A_70, %dma_start3A_90, %dma_start3A_91] : memref<6x8x1024xf32, #tpu.memory_space<vmem>> -> memref<1x8x1024xf32, #tpu.memory_space<vmem>>
        %dma_start3A_93 = tpu.memref_squeeze %dma_start3A_92 : memref<1x8x1024xf32, #tpu.memory_space<vmem>> -> memref<8x1024xf32, #tpu.memory_space<vmem>>
        %dma_start3A_94 = arith.constant 0 : i32
        %dma_start3A_95 = tpu.memref_slice %arg2[%run_scoped3A_69, %add3A_65, %dma_start3A_94] : memref<3x4096x1024xf32, #tpu.memory_space<hbm>> -> memref<1x8x1024xf32, #tpu.memory_space<hbm>>
        %dma_start3A_96 = tpu.memref_squeeze %dma_start3A_95 : memref<1x8x1024xf32, #tpu.memory_space<hbm>> -> memref<8x1024xf32, #tpu.memory_space<hbm>>
        tpu.enqueue_dma source(%dma_start3A_96 : memref<8x1024xf32, #tpu.memory_space<hbm>>) target(%dma_start3A_93 : memref<8x1024xf32, #tpu.memory_space<vmem>>) target_semaphore(%run_scoped3A_83 : memref<!tpu.dma_semaphore, #tpu.memory_space<semaphore_mem>>)
        %dma_wait3A = arith.constant 0 : i32
        %dma_wait3A_97 = arith.constant 0 : i32
        %dma_wait3A_98 = tpu.memref_slice %arg7[%run_scoped3A_70, %dma_wait3A, %dma_wait3A_97] : memref<6x8x1024xf32, #tpu.memory_space<vmem>> -> memref<1x8x1024xf32, #tpu.memory_space<vmem>>
        %dma_wait3A_99 = tpu.memref_squeeze %dma_wait3A_98 : memref<1x8x1024xf32, #tpu.memory_space<vmem>> -> memref<8x1024xf32, #tpu.memory_space<vmem>>
        %dma_wait3A_100 = arith.constant 0 : i32
        %dma_wait3A_101 = tpu.memref_slice %arg2[%run_scoped3A_69, %add3A_65, %dma_wait3A_100] : memref<3x4096x1024xf32, #tpu.memory_space<hbm>> -> memref<1x8x1024xf32, #tpu.memory_space<hbm>>
        %dma_wait3A_102 = tpu.memref_squeeze %dma_wait3A_101 : memref<1x8x1024xf32, #tpu.memory_space<hbm>> -> memref<8x1024xf32, #tpu.memory_space<hbm>>
        %dma_wait3A_103 = arith.constant 0 : i32
        %dma_wait3A_104 = arith.constant 0 : i32
        %dma_wait3A_105 = tpu.memref_slice %arg7[%run_scoped3A_70, %dma_wait3A_103, %dma_wait3A_104] : memref<6x8x1024xf32, #tpu.memory_space<vmem>> -> memref<1x8x1024xf32, #tpu.memory_space<vmem>>
        %dma_wait3A_106 = tpu.memref_squeeze %dma_wait3A_105 : memref<1x8x1024xf32, #tpu.memory_space<vmem>> -> memref<8x1024xf32, #tpu.memory_space<vmem>>
        %dma_wait3A_107 = arith.constant 0 : i32
        %dma_wait3A_108 = tpu.memref_slice %arg2[%run_scoped3A_69, %add3A_65, %dma_wait3A_107] : memref<3x4096x1024xf32, #tpu.memory_space<hbm>> -> memref<1x8x1024xf32, #tpu.memory_space<hbm>>
        %dma_wait3A_109 = tpu.memref_squeeze %dma_wait3A_108 : memref<1x8x1024xf32, #tpu.memory_space<hbm>> -> memref<8x1024xf32, #tpu.memory_space<hbm>>
        tpu.wait_dma2 semaphore(%run_scoped3A_83 : memref<!tpu.dma_semaphore, #tpu.memory_space<semaphore_mem>>) src(%dma_wait3A_109 : memref<8x1024xf32, #tpu.memory_space<hbm>>) dst(%dma_wait3A_106 : memref<8x1024xf32, #tpu.memory_space<vmem>>)
        tpu.yield
      }) : () -> ()
      %run_scoped3A_71 = arith.constant 1 : i32
      %run_scoped3A_72 = arith.constant 4 : i32
      "tpu.region"() ({
        %run_scoped3A_83 = tpu.sem_alloc : memref<!tpu.dma_semaphore, #tpu.memory_space<semaphore_mem>>
        %dma_start3A = arith.constant 0 : i32
        %dma_start3A_84 = arith.constant 0 : i32
        %dma_start3A_85 = tpu.memref_slice %arg7[%run_scoped3A_72, %dma_start3A, %dma_start3A_84] : memref<6x8x1024xf32, #tpu.memory_space<vmem>> -> memref<1x8x1024xf32, #tpu.memory_space<vmem>>
        %dma_start3A_86 = tpu.memref_squeeze %dma_start3A_85 : memref<1x8x1024xf32, #tpu.memory_space<vmem>> -> memref<8x1024xf32, #tpu.memory_space<vmem>>
        %dma_start3A_87 = arith.constant 0 : i32
        %dma_start3A_88 = tpu.memref_slice %arg3[%run_scoped3A_71, %add3A_65, %dma_start3A_87] : memref<3x4096x1024xf32, #tpu.memory_space<hbm>> -> memref<1x8x1024xf32, #tpu.memory_space<hbm>>
        %dma_start3A_89 = tpu.memref_squeeze %dma_start3A_88 : memref<1x8x1024xf32, #tpu.memory_space<hbm>> -> memref<8x1024xf32, #tpu.memory_space<hbm>>
        %dma_start3A_90 = arith.constant 0 : i32
        %dma_start3A_91 = arith.constant 0 : i32
        %dma_start3A_92 = tpu.memref_slice %arg7[%run_scoped3A_72, %dma_start3A_90, %dma_start3A_91] : memref<6x8x1024xf32, #tpu.memory_space<vmem>> -> memref<1x8x1024xf32, #tpu.memory_space<vmem>>
        %dma_start3A_93 = tpu.memref_squeeze %dma_start3A_92 : memref<1x8x1024xf32, #tpu.memory_space<vmem>> -> memref<8x1024xf32, #tpu.memory_space<vmem>>
        %dma_start3A_94 = arith.constant 0 : i32
        %dma_start3A_95 = tpu.memref_slice %arg3[%run_scoped3A_71, %add3A_65, %dma_start3A_94] : memref<3x4096x1024xf32, #tpu.memory_space<hbm>> -> memref<1x8x1024xf32, #tpu.memory_space<hbm>>
        %dma_start3A_96 = tpu.memref_squeeze %dma_start3A_95 : memref<1x8x1024xf32, #tpu.memory_space<hbm>> -> memref<8x1024xf32, #tpu.memory_space<hbm>>
        tpu.enqueue_dma source(%dma_start3A_96 : memref<8x1024xf32, #tpu.memory_space<hbm>>) target(%dma_start3A_93 : memref<8x1024xf32, #tpu.memory_space<vmem>>) target_semaphore(%run_scoped3A_83 : memref<!tpu.dma_semaphore, #tpu.memory_space<semaphore_mem>>)
        %dma_wait3A = arith.constant 0 : i32
        %dma_wait3A_97 = arith.constant 0 : i32
        %dma_wait3A_98 = tpu.memref_slice %arg7[%run_scoped3A_72, %dma_wait3A, %dma_wait3A_97] : memref<6x8x1024xf32, #tpu.memory_space<vmem>> -> memref<1x8x1024xf32, #tpu.memory_space<vmem>>
        %dma_wait3A_99 = tpu.memref_squeeze %dma_wait3A_98 : memref<1x8x1024xf32, #tpu.memory_space<vmem>> -> memref<8x1024xf32, #tpu.memory_space<vmem>>
        %dma_wait3A_100 = arith.constant 0 : i32
        %dma_wait3A_101 = tpu.memref_slice %arg3[%run_scoped3A_71, %add3A_65, %dma_wait3A_100] : memref<3x4096x1024xf32, #tpu.memory_space<hbm>> -> memref<1x8x1024xf32, #tpu.memory_space<hbm>>
        %dma_wait3A_102 = tpu.memref_squeeze %dma_wait3A_101 : memref<1x8x1024xf32, #tpu.memory_space<hbm>> -> memref<8x1024xf32, #tpu.memory_space<hbm>>
        %dma_wait3A_103 = arith.constant 0 : i32
        %dma_wait3A_104 = arith.constant 0 : i32
        %dma_wait3A_105 = tpu.memref_slice %arg7[%run_scoped3A_72, %dma_wait3A_103, %dma_wait3A_104] : memref<6x8x1024xf32, #tpu.memory_space<vmem>> -> memref<1x8x1024xf32, #tpu.memory_space<vmem>>
        %dma_wait3A_106 = tpu.memref_squeeze %dma_wait3A_105 : memref<1x8x1024xf32, #tpu.memory_space<vmem>> -> memref<8x1024xf32, #tpu.memory_space<vmem>>
        %dma_wait3A_107 = arith.constant 0 : i32
        %dma_wait3A_108 = tpu.memref_slice %arg3[%run_scoped3A_71, %add3A_65, %dma_wait3A_107] : memref<3x4096x1024xf32, #tpu.memory_space<hbm>> -> memref<1x8x1024xf32, #tpu.memory_space<hbm>>
        %dma_wait3A_109 = tpu.memref_squeeze %dma_wait3A_108 : memref<1x8x1024xf32, #tpu.memory_space<hbm>> -> memref<8x1024xf32, #tpu.memory_space<hbm>>
        tpu.wait_dma2 semaphore(%run_scoped3A_83 : memref<!tpu.dma_semaphore, #tpu.memory_space<semaphore_mem>>) src(%dma_wait3A_109 : memref<8x1024xf32, #tpu.memory_space<hbm>>) dst(%dma_wait3A_106 : memref<8x1024xf32, #tpu.memory_space<vmem>>)
        tpu.yield
      }) : () -> ()
      %run_scoped3A_73 = arith.constant 2 : i32
      %run_scoped3A_74 = arith.constant 2 : i32
      "tpu.region"() ({
        %run_scoped3A_83 = tpu.sem_alloc : memref<!tpu.dma_semaphore, #tpu.memory_space<semaphore_mem>>
        %dma_start3A = arith.constant 0 : i32
        %dma_start3A_84 = arith.constant 0 : i32
        %dma_start3A_85 = tpu.memref_slice %arg7[%run_scoped3A_74, %dma_start3A, %dma_start3A_84] : memref<6x8x1024xf32, #tpu.memory_space<vmem>> -> memref<1x8x1024xf32, #tpu.memory_space<vmem>>
        %dma_start3A_86 = tpu.memref_squeeze %dma_start3A_85 : memref<1x8x1024xf32, #tpu.memory_space<vmem>> -> memref<8x1024xf32, #tpu.memory_space<vmem>>
        %dma_start3A_87 = arith.constant 0 : i32
        %dma_start3A_88 = tpu.memref_slice %arg2[%run_scoped3A_73, %add3A_65, %dma_start3A_87] : memref<3x4096x1024xf32, #tpu.memory_space<hbm>> -> memref<1x8x1024xf32, #tpu.memory_space<hbm>>
        %dma_start3A_89 = tpu.memref_squeeze %dma_start3A_88 : memref<1x8x1024xf32, #tpu.memory_space<hbm>> -> memref<8x1024xf32, #tpu.memory_space<hbm>>
        %dma_start3A_90 = arith.constant 0 : i32
        %dma_start3A_91 = arith.constant 0 : i32
        %dma_start3A_92 = tpu.memref_slice %arg7[%run_scoped3A_74, %dma_start3A_90, %dma_start3A_91] : memref<6x8x1024xf32, #tpu.memory_space<vmem>> -> memref<1x8x1024xf32, #tpu.memory_space<vmem>>
        %dma_start3A_93 = tpu.memref_squeeze %dma_start3A_92 : memref<1x8x1024xf32, #tpu.memory_space<vmem>> -> memref<8x1024xf32, #tpu.memory_space<vmem>>
        %dma_start3A_94 = arith.constant 0 : i32
        %dma_start3A_95 = tpu.memref_slice %arg2[%run_scoped3A_73, %add3A_65, %dma_start3A_94] : memref<3x4096x1024xf32, #tpu.memory_space<hbm>> -> memref<1x8x1024xf32, #tpu.memory_space<hbm>>
        %dma_start3A_96 = tpu.memref_squeeze %dma_start3A_95 : memref<1x8x1024xf32, #tpu.memory_space<hbm>> -> memref<8x1024xf32, #tpu.memory_space<hbm>>
        tpu.enqueue_dma source(%dma_start3A_96 : memref<8x1024xf32, #tpu.memory_space<hbm>>) target(%dma_start3A_93 : memref<8x1024xf32, #tpu.memory_space<vmem>>) target_semaphore(%run_scoped3A_83 : memref<!tpu.dma_semaphore, #tpu.memory_space<semaphore_mem>>)
        %dma_wait3A = arith.constant 0 : i32
        %dma_wait3A_97 = arith.constant 0 : i32
        %dma_wait3A_98 = tpu.memref_slice %arg7[%run_scoped3A_74, %dma_wait3A, %dma_wait3A_97] : memref<6x8x1024xf32, #tpu.memory_space<vmem>> -> memref<1x8x1024xf32, #tpu.memory_space<vmem>>
        %dma_wait3A_99 = tpu.memref_squeeze %dma_wait3A_98 : memref<1x8x1024xf32, #tpu.memory_space<vmem>> -> memref<8x1024xf32, #tpu.memory_space<vmem>>
        %dma_wait3A_100 = arith.constant 0 : i32
        %dma_wait3A_101 = tpu.memref_slice %arg2[%run_scoped3A_73, %add3A_65, %dma_wait3A_100] : memref<3x4096x1024xf32, #tpu.memory_space<hbm>> -> memref<1x8x1024xf32, #tpu.memory_space<hbm>>
        %dma_wait3A_102 = tpu.memref_squeeze %dma_wait3A_101 : memref<1x8x1024xf32, #tpu.memory_space<hbm>> -> memref<8x1024xf32, #tpu.memory_space<hbm>>
        %dma_wait3A_103 = arith.constant 0 : i32
        %dma_wait3A_104 = arith.constant 0 : i32
        %dma_wait3A_105 = tpu.memref_slice %arg7[%run_scoped3A_74, %dma_wait3A_103, %dma_wait3A_104] : memref<6x8x1024xf32, #tpu.memory_space<vmem>> -> memref<1x8x1024xf32, #tpu.memory_space<vmem>>
        %dma_wait3A_106 = tpu.memref_squeeze %dma_wait3A_105 : memref<1x8x1024xf32, #tpu.memory_space<vmem>> -> memref<8x1024xf32, #tpu.memory_space<vmem>>
        %dma_wait3A_107 = arith.constant 0 : i32
        %dma_wait3A_108 = tpu.memref_slice %arg2[%run_scoped3A_73, %add3A_65, %dma_wait3A_107] : memref<3x4096x1024xf32, #tpu.memory_space<hbm>> -> memref<1x8x1024xf32, #tpu.memory_space<hbm>>
        %dma_wait3A_109 = tpu.memref_squeeze %dma_wait3A_108 : memref<1x8x1024xf32, #tpu.memory_space<hbm>> -> memref<8x1024xf32, #tpu.memory_space<hbm>>
        tpu.wait_dma2 semaphore(%run_scoped3A_83 : memref<!tpu.dma_semaphore, #tpu.memory_space<semaphore_mem>>) src(%dma_wait3A_109 : memref<8x1024xf32, #tpu.memory_space<hbm>>) dst(%dma_wait3A_106 : memref<8x1024xf32, #tpu.memory_space<vmem>>)
        tpu.yield
      }) : () -> ()
      %run_scoped3A_75 = arith.constant 2 : i32
      %run_scoped3A_76 = arith.constant 5 : i32
      "tpu.region"() ({
        %run_scoped3A_83 = tpu.sem_alloc : memref<!tpu.dma_semaphore, #tpu.memory_space<semaphore_mem>>
        %dma_start3A = arith.constant 0 : i32
        %dma_start3A_84 = arith.constant 0 : i32
        %dma_start3A_85 = tpu.memref_slice %arg7[%run_scoped3A_76, %dma_start3A, %dma_start3A_84] : memref<6x8x1024xf32, #tpu.memory_space<vmem>> -> memref<1x8x1024xf32, #tpu.memory_space<vmem>>
        %dma_start3A_86 = tpu.memref_squeeze %dma_start3A_85 : memref<1x8x1024xf32, #tpu.memory_space<vmem>> -> memref<8x1024xf32, #tpu.memory_space<vmem>>
        %dma_start3A_87 = arith.constant 0 : i32
        %dma_start3A_88 = tpu.memref_slice %arg3[%run_scoped3A_75, %add3A_65, %dma_start3A_87] : memref<3x4096x1024xf32, #tpu.memory_space<hbm>> -> memref<1x8x1024xf32, #tpu.memory_space<hbm>>
        %dma_start3A_89 = tpu.memref_squeeze %dma_start3A_88 : memref<1x8x1024xf32, #tpu.memory_space<hbm>> -> memref<8x1024xf32, #tpu.memory_space<hbm>>
        %dma_start3A_90 = arith.constant 0 : i32
        %dma_start3A_91 = arith.constant 0 : i32
        %dma_start3A_92 = tpu.memref_slice %arg7[%run_scoped3A_76, %dma_start3A_90, %dma_start3A_91] : memref<6x8x1024xf32, #tpu.memory_space<vmem>> -> memref<1x8x1024xf32, #tpu.memory_space<vmem>>
        %dma_start3A_93 = tpu.memref_squeeze %dma_start3A_92 : memref<1x8x1024xf32, #tpu.memory_space<vmem>> -> memref<8x1024xf32, #tpu.memory_space<vmem>>
        %dma_start3A_94 = arith.constant 0 : i32
        %dma_start3A_95 = tpu.memref_slice %arg3[%run_scoped3A_75, %add3A_65, %dma_start3A_94] : memref<3x4096x1024xf32, #tpu.memory_space<hbm>> -> memref<1x8x1024xf32, #tpu.memory_space<hbm>>
        %dma_start3A_96 = tpu.memref_squeeze %dma_start3A_95 : memref<1x8x1024xf32, #tpu.memory_space<hbm>> -> memref<8x1024xf32, #tpu.memory_space<hbm>>
        tpu.enqueue_dma source(%dma_start3A_96 : memref<8x1024xf32, #tpu.memory_space<hbm>>) target(%dma_start3A_93 : memref<8x1024xf32, #tpu.memory_space<vmem>>) target_semaphore(%run_scoped3A_83 : memref<!tpu.dma_semaphore, #tpu.memory_space<semaphore_mem>>)
        %dma_wait3A = arith.constant 0 : i32
        %dma_wait3A_97 = arith.constant 0 : i32
        %dma_wait3A_98 = tpu.memref_slice %arg7[%run_scoped3A_76, %dma_wait3A, %dma_wait3A_97] : memref<6x8x1024xf32, #tpu.memory_space<vmem>> -> memref<1x8x1024xf32, #tpu.memory_space<vmem>>
        %dma_wait3A_99 = tpu.memref_squeeze %dma_wait3A_98 : memref<1x8x1024xf32, #tpu.memory_space<vmem>> -> memref<8x1024xf32, #tpu.memory_space<vmem>>
        %dma_wait3A_100 = arith.constant 0 : i32
        %dma_wait3A_101 = tpu.memref_slice %arg3[%run_scoped3A_75, %add3A_65, %dma_wait3A_100] : memref<3x4096x1024xf32, #tpu.memory_space<hbm>> -> memref<1x8x1024xf32, #tpu.memory_space<hbm>>
        %dma_wait3A_102 = tpu.memref_squeeze %dma_wait3A_101 : memref<1x8x1024xf32, #tpu.memory_space<hbm>> -> memref<8x1024xf32, #tpu.memory_space<hbm>>
        %dma_wait3A_103 = arith.constant 0 : i32
        %dma_wait3A_104 = arith.constant 0 : i32
        %dma_wait3A_105 = tpu.memref_slice %arg7[%run_scoped3A_76, %dma_wait3A_103, %dma_wait3A_104] : memref<6x8x1024xf32, #tpu.memory_space<vmem>> -> memref<1x8x1024xf32, #tpu.memory_space<vmem>>
        %dma_wait3A_106 = tpu.memref_squeeze %dma_wait3A_105 : memref<1x8x1024xf32, #tpu.memory_space<vmem>> -> memref<8x1024xf32, #tpu.memory_space<vmem>>
        %dma_wait3A_107 = arith.constant 0 : i32
        %dma_wait3A_108 = tpu.memref_slice %arg3[%run_scoped3A_75, %add3A_65, %dma_wait3A_107] : memref<3x4096x1024xf32, #tpu.memory_space<hbm>> -> memref<1x8x1024xf32, #tpu.memory_space<hbm>>
        %dma_wait3A_109 = tpu.memref_squeeze %dma_wait3A_108 : memref<1x8x1024xf32, #tpu.memory_space<hbm>> -> memref<8x1024xf32, #tpu.memory_space<hbm>>
        tpu.wait_dma2 semaphore(%run_scoped3A_83 : memref<!tpu.dma_semaphore, #tpu.memory_space<semaphore_mem>>) src(%dma_wait3A_109 : memref<8x1024xf32, #tpu.memory_space<hbm>>) dst(%dma_wait3A_106 : memref<8x1024xf32, #tpu.memory_space<vmem>>)
        tpu.yield
      }) : () -> ()
      %scan3A_77 = arith.constant 0 : i32
      %scan3A_78 = arith.constant 64 : i32
      %scan3A_79 = arith.addi %scan3A_77, %scan3A_78 : i32
      %scan3A_80 = arith.constant 1 : i32
      %scan3A_81 = scf.for %scan3A_83 = %scan3A_77 to %scan3A_79 step %scan3A_80 iter_args(%scan3A_84 = %scan3A_62) -> (vector<16xf32>)  : i32 {
        %mul3A_85 = arith.constant 16 : i32
        %mul3A_86 = arith.muli %scan3A_83, %mul3A_85 : i32
        %get3A_87 = arith.constant 0 : i32
        %get3A_88 = arith.constant 0 : i32
        %get3A_89 = arith.index_cast %get3A_87 : i32 to index
        %get3A_90 = arith.index_cast %get3A_88 : i32 to index
        %get3A_91 = arith.index_cast %mul3A_86 : i32 to index
        %get3A_92 = tpu.vector_load %arg7[%get3A_89, %get3A_90, %get3A_91] {strides = array<i32>} : memref<6x8x1024xf32, #tpu.memory_space<vmem>>, vector<1x1x16xf32>,
        %get3A_93 = vector.shape_cast %get3A_92 : vector<1x1x16xf32> to vector<16xf32>
        %get3A_94 = arith.constant 3 : i32
        %get3A_95 = arith.constant 0 : i32
        %get3A_96 = arith.index_cast %get3A_94 : i32 to index
        %get3A_97 = arith.index_cast %get3A_95 : i32 to index
        %get3A_98 = arith.index_cast %mul3A_86 : i32 to index
        %get3A_99 = tpu.vector_load %arg7[%get3A_96, %get3A_97, %get3A_98] {strides = array<i32>} : memref<6x8x1024xf32, #tpu.memory_space<vmem>>, vector<1x1x16xf32>,
        %get3A_100 = vector.shape_cast %get3A_99 : vector<1x1x16xf32> to vector<16xf32>
        %sub3A_101 = arith.subf %get3A_93, %get3A_100 : vector<16xf32>
        %get3A_102 = arith.constant 1 : i32
        %get3A_103 = arith.constant 0 : i32
        %get3A_104 = arith.index_cast %get3A_102 : i32 to index
        %get3A_105 = arith.index_cast %get3A_103 : i32 to index
        %get3A_106 = arith.index_cast %mul3A_86 : i32 to index
        %get3A_107 = tpu.vector_load %arg7[%get3A_104, %get3A_105, %get3A_106] {strides = array<i32>} : memref<6x8x1024xf32, #tpu.memory_space<vmem>>, vector<1x1x16xf32>,
        %get3A_108 = vector.shape_cast %get3A_107 : vector<1x1x16xf32> to vector<16xf32>
        %get3A_109 = arith.constant 4 : i32
        %get3A_110 = arith.constant 0 : i32
        %get3A_111 = arith.index_cast %get3A_109 : i32 to index
        %get3A_112 = arith.index_cast %get3A_110 : i32 to index
        %get3A_113 = arith.index_cast %mul3A_86 : i32 to index
        %get3A_114 = tpu.vector_load %arg7[%get3A_111, %get3A_112, %get3A_113] {strides = array<i32>} : memref<6x8x1024xf32, #tpu.memory_space<vmem>>, vector<1x1x16xf32>,
        %get3A_115 = vector.shape_cast %get3A_114 : vector<1x1x16xf32> to vector<16xf32>
        %sub3A_116 = arith.subf %get3A_108, %get3A_115 : vector<16xf32>
        %get3A_117 = arith.constant 2 : i32
        %get3A_118 = arith.constant 0 : i32
        %get3A_119 = arith.index_cast %get3A_117 : i32 to index
        %get3A_120 = arith.index_cast %get3A_118 : i32 to index
        %get3A_121 = arith.index_cast %mul3A_86 : i32 to index
        %get3A_122 = tpu.vector_load %arg7[%get3A_119, %get3A_120, %get3A_121] {strides = array<i32>} : memref<6x8x1024xf32, #tpu.memory_space<vmem>>, vector<1x1x16xf32>,
        %get3A_123 = vector.shape_cast %get3A_122 : vector<1x1x16xf32> to vector<16xf32>
        %get3A_124 = arith.constant 5 : i32
        %get3A_125 = arith.constant 0 : i32
        %get3A_126 = arith.index_cast %get3A_124 : i32 to index
        %get3A_127 = arith.index_cast %get3A_125 : i32 to index
        %get3A_128 = arith.index_cast %mul3A_86 : i32 to index
        %get3A_129 = tpu.vector_load %arg7[%get3A_126, %get3A_127, %get3A_128] {strides = array<i32>} : memref<6x8x1024xf32, #tpu.memory_space<vmem>>, vector<1x1x16xf32>,
        %get3A_130 = vector.shape_cast %get3A_129 : vector<1x1x16xf32> to vector<16xf32>
        %sub3A_131 = arith.subf %get3A_123, %get3A_130 : vector<16xf32>
        %mul3A_132 = arith.mulf %sub3A_101, %sub3A_101 : vector<16xf32>
        %mul3A_133 = arith.mulf %sub3A_116, %sub3A_116 : vector<16xf32>
        %add3A_134 = arith.addf %mul3A_132, %mul3A_133 : vector<16xf32>
        %mul3A_135 = arith.mulf %sub3A_131, %sub3A_131 : vector<16xf32>
        %add3A_136 = arith.addf %add3A_134, %mul3A_135 : vector<16xf32>
        %mul3A_137 = arith.mulf %add3A_136, %get3A_41 : vector<16xf32>
        %exp3A = math.exp %mul3A_137 : vector<16xf32>
        %mul3A_138 = arith.mulf %get3A_38, %exp3A : vector<16xf32>
        %add3A_139 = arith.addf %mul3A_138, %sub3A_44 : vector<16xf32>
        %lt3A_140 = arith.constant 0.030384494 : f32
        %lt3A_141 = vector.broadcast %lt3A_140 : f32 to vector<16xf32>
        %lt3A_142 = arith.cmpf olt, %add3A_136, %lt3A_141 : vector<16xf32>
        %jit3A_143 = arith.constant 1.000000e+00 : f32
        %broadcast_in_dim3A_144 = vector.broadcast %jit3A_143 : f32 to vector<16xf32>
        %select_n3A_145 = arith.select %lt3A_142, %add3A_139, %broadcast_in_dim3A_144 : vector<16xi1>, vector<16xf32>
        %bitcast_convert_type3A = tpu.bitcast %select_n3A_145 : vector<16xf32> -> vector<16xi32>
        %shift_right_arithmetic3A = arith.constant 23 : i32
        %shift_right_arithmetic3A_146 = vector.broadcast %shift_right_arithmetic3A : i32 to vector<16xi32>
        %shift_right_arithmetic3A_147 = arith.shrsi %bitcast_convert_type3A, %shift_right_arithmetic3A_146 : vector<16xi32>
        %sub3A_148 = arith.constant 127 : i32
        %sub3A_149 = vector.broadcast %sub3A_148 : i32 to vector<16xi32>
        %sub3A_150 = arith.subi %shift_right_arithmetic3A_147, %sub3A_149 : vector<16xi32>
        %and3A_151 = arith.constant 8388607 : i32
        %and3A_152 = vector.broadcast %and3A_151 : i32 to vector<16xi32>
        %and3A_153 = arith.andi %bitcast_convert_type3A, %and3A_152 : vector<16xi32>
        %or3A = arith.constant 1065353216 : i32
        %or3A_154 = vector.broadcast %or3A : i32 to vector<16xi32>
        %or3A_155 = arith.ori %and3A_153, %or3A_154 : vector<16xi32>
        %bitcast_convert_type3A_156 = tpu.bitcast %or3A_155 : vector<16xi32> -> vector<16xf32>
        %gt3A = arith.constant 1.41421354 : f32
        %gt3A_157 = vector.broadcast %gt3A : f32 to vector<16xf32>
        %gt3A_158 = arith.cmpf ogt, %bitcast_convert_type3A_156, %gt3A_157 : vector<16xf32>
        %mul3A_159 = arith.constant 5.000000e-01 : f32
        %mul3A_160 = vector.broadcast %mul3A_159 : f32 to vector<16xf32>
        %mul3A_161 = arith.mulf %bitcast_convert_type3A_156, %mul3A_160 : vector<16xf32>
        %select_n3A_162 = arith.select %gt3A_158, %mul3A_161, %bitcast_convert_type3A_156 : vector<16xi1>, vector<16xf32>
        %jit3A_163 = arith.constant 1 : i32
        %jit3A_164 = arith.constant 0 : i32
        %broadcast_in_dim3A_165 = vector.broadcast %jit3A_163 : i32 to vector<16xi32>
        %broadcast_in_dim3A_166 = vector.broadcast %jit3A_164 : i32 to vector<16xi32>
        %select_n3A_167 = arith.select %gt3A_158, %broadcast_in_dim3A_165, %broadcast_in_dim3A_166 : vector<16xi1>, vector<16xi32>
        %add3A_168 = arith.addi %sub3A_150, %select_n3A_167 : vector<16xi32>
        %convert_element_type3A = arith.sitofp %add3A_168 : vector<16xi32> to vector<16xf32>
        %sub3A_169 = arith.constant 1.000000e+00 : f32
        %sub3A_170 = vector.broadcast %sub3A_169 : f32 to vector<16xf32>
        %sub3A_171 = arith.subf %select_n3A_162, %sub3A_170 : vector<16xf32>
        %add3A_172 = arith.constant 2.000000e+00 : f32
        %add3A_173 = vector.broadcast %add3A_172 : f32 to vector<16xf32>
        %add3A_174 = arith.addf %add3A_173, %sub3A_171 : vector<16xf32>
        %div3A_175 = arith.divf %sub3A_171, %add3A_174 : vector<16xf32>
        %mul3A_176 = arith.mulf %div3A_175, %div3A_175 : vector<16xf32>
        %mul3A_177 = arith.constant 0.222222224 : f32
        %mul3A_178 = vector.broadcast %mul3A_177 : f32 to vector<16xf32>
        %mul3A_179 = arith.mulf %mul3A_176, %mul3A_178 : vector<16xf32>
        %add3A_180 = arith.constant 0.285714298 : f32
        %add3A_181 = vector.broadcast %add3A_180 : f32 to vector<16xf32>
        %add3A_182 = arith.addf %add3A_181, %mul3A_179 : vector<16xf32>
        %mul3A_183 = arith.mulf %mul3A_176, %add3A_182 : vector<16xf32>
        %add3A_184 = arith.constant 4.000000e-01 : f32
        %add3A_185 = vector.broadcast %add3A_184 : f32 to vector<16xf32>
        %add3A_186 = arith.addf %add3A_185, %mul3A_183 : vector<16xf32>
        %mul3A_187 = arith.mulf %mul3A_176, %add3A_186 : vector<16xf32>
        %add3A_188 = arith.constant 0.666666686 : f32
        %add3A_189 = vector.broadcast %add3A_188 : f32 to vector<16xf32>
        %add3A_190 = arith.addf %add3A_189, %mul3A_187 : vector<16xf32>
        %mul3A_191 = arith.mulf %mul3A_176, %add3A_190 : vector<16xf32>
        %add3A_192 = arith.constant 2.000000e+00 : f32
        %add3A_193 = vector.broadcast %add3A_192 : f32 to vector<16xf32>
        %add3A_194 = arith.addf %add3A_193, %mul3A_191 : vector<16xf32>
        %mul3A_195 = arith.mulf %div3A_175, %add3A_194 : vector<16xf32>
        %mul3A_196 = arith.constant 0.693147182 : f32
        %mul3A_197 = vector.broadcast %mul3A_196 : f32 to vector<16xf32>
        %mul3A_198 = arith.mulf %convert_element_type3A, %mul3A_197 : vector<16xf32>
        %add3A_199 = arith.addf %mul3A_195, %mul3A_198 : vector<16xf32>
        %add3A_200 = arith.addf %scan3A_84, %add3A_199 : vector<16xf32>
        %get3A_201 = arith.constant 0 : i32
        %get3A_202 = arith.constant 1 : i32
        %get3A_203 = arith.index_cast %get3A_201 : i32 to index
        %get3A_204 = arith.index_cast %get3A_202 : i32 to index
        %get3A_205 = arith.index_cast %mul3A_86 : i32 to index
        %get3A_206 = tpu.vector_load %arg7[%get3A_203, %get3A_204, %get3A_205] {strides = array<i32>} : memref<6x8x1024xf32, #tpu.memory_space<vmem>>, vector<1x1x16xf32>,
        %get3A_207 = vector.shape_cast %get3A_206 : vector<1x1x16xf32> to vector<16xf32>
        %get3A_208 = arith.constant 3 : i32
        %get3A_209 = arith.constant 1 : i32
        %get3A_210 = arith.index_cast %get3A_208 : i32 to index
        %get3A_211 = arith.index_cast %get3A_209 : i32 to index
        %get3A_212 = arith.index_cast %mul3A_86 : i32 to index
        %get3A_213 = tpu.vector_load %arg7[%get3A_210, %get3A_211, %get3A_212] {strides = array<i32>} : memref<6x8x1024xf32, #tpu.memory_space<vmem>>, vector<1x1x16xf32>,
        %get3A_214 = vector.shape_cast %get3A_213 : vector<1x1x16xf32> to vector<16xf32>
        %sub3A_215 = arith.subf %get3A_207, %get3A_214 : vector<16xf32>
        %get3A_216 = arith.constant 1 : i32
        %get3A_217 = arith.constant 1 : i32
        %get3A_218 = arith.index_cast %get3A_216 : i32 to index
        %get3A_219 = arith.index_cast %get3A_217 : i32 to index
        %get3A_220 = arith.index_cast %mul3A_86 : i32 to index
        %get3A_221 = tpu.vector_load %arg7[%get3A_218, %get3A_219, %get3A_220] {strides = array<i32>} : memref<6x8x1024xf32, #tpu.memory_space<vmem>>, vector<1x1x16xf32>,
        %get3A_222 = vector.shape_cast %get3A_221 : vector<1x1x16xf32> to vector<16xf32>
        %get3A_223 = arith.constant 4 : i32
        %get3A_224 = arith.constant 1 : i32
        %get3A_225 = arith.index_cast %get3A_223 : i32 to index
        %get3A_226 = arith.index_cast %get3A_224 : i32 to index
        %get3A_227 = arith.index_cast %mul3A_86 : i32 to index
        %get3A_228 = tpu.vector_load %arg7[%get3A_225, %get3A_226, %get3A_227] {strides = array<i32>} : memref<6x8x1024xf32, #tpu.memory_space<vmem>>, vector<1x1x16xf32>,
        %get3A_229 = vector.shape_cast %get3A_228 : vector<1x1x16xf32> to vector<16xf32>
        %sub3A_230 = arith.subf %get3A_222, %get3A_229 : vector<16xf32>
        %get3A_231 = arith.constant 2 : i32
        %get3A_232 = arith.constant 1 : i32
        %get3A_233 = arith.index_cast %get3A_231 : i32 to index
        %get3A_234 = arith.index_cast %get3A_232 : i32 to index
        %get3A_235 = arith.index_cast %mul3A_86 : i32 to index
        %get3A_236 = tpu.vector_load %arg7[%get3A_233, %get3A_234, %get3A_235] {strides = array<i32>} : memref<6x8x1024xf32, #tpu.memory_space<vmem>>, vector<1x1x16xf32>,
        %get3A_237 = vector.shape_cast %get3A_236 : vector<1x1x16xf32> to vector<16xf32>
        %get3A_238 = arith.constant 5 : i32
        %get3A_239 = arith.constant 1 : i32
        %get3A_240 = arith.index_cast %get3A_238 : i32 to index
        %get3A_241 = arith.index_cast %get3A_239 : i32 to index
        %get3A_242 = arith.index_cast %mul3A_86 : i32 to index
        %get3A_243 = tpu.vector_load %arg7[%get3A_240, %get3A_241, %get3A_242] {strides = array<i32>} : memref<6x8x1024xf32, #tpu.memory_space<vmem>>, vector<1x1x16xf32>,
        %get3A_244 = vector.shape_cast %get3A_243 : vector<1x1x16xf32> to vector<16xf32>
        %sub3A_245 = arith.subf %get3A_237, %get3A_244 : vector<16xf32>
        %mul3A_246 = arith.mulf %sub3A_215, %sub3A_215 : vector<16xf32>
        %mul3A_247 = arith.mulf %sub3A_230, %sub3A_230 : vector<16xf32>
        %add3A_248 = arith.addf %mul3A_246, %mul3A_247 : vector<16xf32>
        %mul3A_249 = arith.mulf %sub3A_245, %sub3A_245 : vector<16xf32>
        %add3A_250 = arith.addf %add3A_248, %mul3A_249 : vector<16xf32>
        %mul3A_251 = arith.mulf %add3A_250, %get3A_41 : vector<16xf32>
        %exp3A_252 = math.exp %mul3A_251 : vector<16xf32>
        %mul3A_253 = arith.mulf %get3A_38, %exp3A_252 : vector<16xf32>
        %add3A_254 = arith.addf %mul3A_253, %sub3A_44 : vector<16xf32>
        %lt3A_255 = arith.constant 0.030384494 : f32
        %lt3A_256 = vector.broadcast %lt3A_255 : f32 to vector<16xf32>
        %lt3A_257 = arith.cmpf olt, %add3A_250, %lt3A_256 : vector<16xf32>
        %jit3A_258 = arith.constant 1.000000e+00 : f32
        %broadcast_in_dim3A_259 = vector.broadcast %jit3A_258 : f32 to vector<16xf32>
        %select_n3A_260 = arith.select %lt3A_257, %add3A_254, %broadcast_in_dim3A_259 : vector<16xi1>, vector<16xf32>
        %bitcast_convert_type3A_261 = tpu.bitcast %select_n3A_260 : vector<16xf32> -> vector<16xi32>
        %shift_right_arithmetic3A_262 = arith.constant 23 : i32
        %shift_right_arithmetic3A_263 = vector.broadcast %shift_right_arithmetic3A_262 : i32 to vector<16xi32>
        %shift_right_arithmetic3A_264 = arith.shrsi %bitcast_convert_type3A_261, %shift_right_arithmetic3A_263 : vector<16xi32>
        %sub3A_265 = arith.constant 127 : i32
        %sub3A_266 = vector.broadcast %sub3A_265 : i32 to vector<16xi32>
        %sub3A_267 = arith.subi %shift_right_arithmetic3A_264, %sub3A_266 : vector<16xi32>
        %and3A_268 = arith.constant 8388607 : i32
        %and3A_269 = vector.broadcast %and3A_268 : i32 to vector<16xi32>
        %and3A_270 = arith.andi %bitcast_convert_type3A_261, %and3A_269 : vector<16xi32>
        %or3A_271 = arith.constant 1065353216 : i32
        %or3A_272 = vector.broadcast %or3A_271 : i32 to vector<16xi32>
        %or3A_273 = arith.ori %and3A_270, %or3A_272 : vector<16xi32>
        %bitcast_convert_type3A_274 = tpu.bitcast %or3A_273 : vector<16xi32> -> vector<16xf32>
        %gt3A_275 = arith.constant 1.41421354 : f32
        %gt3A_276 = vector.broadcast %gt3A_275 : f32 to vector<16xf32>
        %gt3A_277 = arith.cmpf ogt, %bitcast_convert_type3A_274, %gt3A_276 : vector<16xf32>
        %mul3A_278 = arith.constant 5.000000e-01 : f32
        %mul3A_279 = vector.broadcast %mul3A_278 : f32 to vector<16xf32>
        %mul3A_280 = arith.mulf %bitcast_convert_type3A_274, %mul3A_279 : vector<16xf32>
        %select_n3A_281 = arith.select %gt3A_277, %mul3A_280, %bitcast_convert_type3A_274 : vector<16xi1>, vector<16xf32>
        %jit3A_282 = arith.constant 1 : i32
        %jit3A_283 = arith.constant 0 : i32
        %broadcast_in_dim3A_284 = vector.broadcast %jit3A_282 : i32 to vector<16xi32>
        %broadcast_in_dim3A_285 = vector.broadcast %jit3A_283 : i32 to vector<16xi32>
        %select_n3A_286 = arith.select %gt3A_277, %broadcast_in_dim3A_284, %broadcast_in_dim3A_285 : vector<16xi1>, vector<16xi32>
        %add3A_287 = arith.addi %sub3A_267, %select_n3A_286 : vector<16xi32>
        %convert_element_type3A_288 = arith.sitofp %add3A_287 : vector<16xi32> to vector<16xf32>
        %sub3A_289 = arith.constant 1.000000e+00 : f32
        %sub3A_290 = vector.broadcast %sub3A_289 : f32 to vector<16xf32>
        %sub3A_291 = arith.subf %select_n3A_281, %sub3A_290 : vector<16xf32>
        %add3A_292 = arith.constant 2.000000e+00 : f32
        %add3A_293 = vector.broadcast %add3A_292 : f32 to vector<16xf32>
        %add3A_294 = arith.addf %add3A_293, %sub3A_291 : vector<16xf32>
        %div3A_295 = arith.divf %sub3A_291, %add3A_294 : vector<16xf32>
        %mul3A_296 = arith.mulf %div3A_295, %div3A_295 : vector<16xf32>
        %mul3A_297 = arith.constant 0.222222224 : f32
        %mul3A_298 = vector.broadcast %mul3A_297 : f32 to vector<16xf32>
        %mul3A_299 = arith.mulf %mul3A_296, %mul3A_298 : vector<16xf32>
        %add3A_300 = arith.constant 0.285714298 : f32
        %add3A_301 = vector.broadcast %add3A_300 : f32 to vector<16xf32>
        %add3A_302 = arith.addf %add3A_301, %mul3A_299 : vector<16xf32>
        %mul3A_303 = arith.mulf %mul3A_296, %add3A_302 : vector<16xf32>
        %add3A_304 = arith.constant 4.000000e-01 : f32
        %add3A_305 = vector.broadcast %add3A_304 : f32 to vector<16xf32>
        %add3A_306 = arith.addf %add3A_305, %mul3A_303 : vector<16xf32>
        %mul3A_307 = arith.mulf %mul3A_296, %add3A_306 : vector<16xf32>
        %add3A_308 = arith.constant 0.666666686 : f32
        %add3A_309 = vector.broadcast %add3A_308 : f32 to vector<16xf32>
        %add3A_310 = arith.addf %add3A_309, %mul3A_307 : vector<16xf32>
        %mul3A_311 = arith.mulf %mul3A_296, %add3A_310 : vector<16xf32>
        %add3A_312 = arith.constant 2.000000e+00 : f32
        %add3A_313 = vector.broadcast %add3A_312 : f32 to vector<16xf32>
        %add3A_314 = arith.addf %add3A_313, %mul3A_311 : vector<16xf32>
        %mul3A_315 = arith.mulf %div3A_295, %add3A_314 : vector<16xf32>
        %mul3A_316 = arith.constant 0.693147182 : f32
        %mul3A_317 = vector.broadcast %mul3A_316 : f32 to vector<16xf32>
        %mul3A_318 = arith.mulf %convert_element_type3A_288, %mul3A_317 : vector<16xf32>
        %add3A_319 = arith.addf %mul3A_315, %mul3A_318 : vector<16xf32>
        %add3A_320 = arith.addf %add3A_200, %add3A_319 : vector<16xf32>
        %get3A_321 = arith.constant 0 : i32
        %get3A_322 = arith.constant 2 : i32
        %get3A_323 = arith.index_cast %get3A_321 : i32 to index
        %get3A_324 = arith.index_cast %get3A_322 : i32 to index
        %get3A_325 = arith.index_cast %mul3A_86 : i32 to index
        %get3A_326 = tpu.vector_load %arg7[%get3A_323, %get3A_324, %get3A_325] {strides = array<i32>} : memref<6x8x1024xf32, #tpu.memory_space<vmem>>, vector<1x1x16xf32>,
        %get3A_327 = vector.shape_cast %get3A_326 : vector<1x1x16xf32> to vector<16xf32>
        %get3A_328 = arith.constant 3 : i32
        %get3A_329 = arith.constant 2 : i32
        %get3A_330 = arith.index_cast %get3A_328 : i32 to index
        %get3A_331 = arith.index_cast %get3A_329 : i32 to index
        %get3A_332 = arith.index_cast %mul3A_86 : i32 to index
        %get3A_333 = tpu.vector_load %arg7[%get3A_330, %get3A_331, %get3A_332] {strides = array<i32>} : memref<6x8x1024xf32, #tpu.memory_space<vmem>>, vector<1x1x16xf32>,
        %get3A_334 = vector.shape_cast %get3A_333 : vector<1x1x16xf32> to vector<16xf32>
        %sub3A_335 = arith.subf %get3A_327, %get3A_334 : vector<16xf32>
        %get3A_336 = arith.constant 1 : i32
        %get3A_337 = arith.constant 2 : i32
        %get3A_338 = arith.index_cast %get3A_336 : i32 to index
        %get3A_339 = arith.index_cast %get3A_337 : i32 to index
        %get3A_340 = arith.index_cast %mul3A_86 : i32 to index
        %get3A_341 = tpu.vector_load %arg7[%get3A_338, %get3A_339, %get3A_340] {strides = array<i32>} : memref<6x8x1024xf32, #tpu.memory_space<vmem>>, vector<1x1x16xf32>,
        %get3A_342 = vector.shape_cast %get3A_341 : vector<1x1x16xf32> to vector<16xf32>
        %get3A_343 = arith.constant 4 : i32
        %get3A_344 = arith.constant 2 : i32
        %get3A_345 = arith.index_cast %get3A_343 : i32 to index
        %get3A_346 = arith.index_cast %get3A_344 : i32 to index
        %get3A_347 = arith.index_cast %mul3A_86 : i32 to index
        %get3A_348 = tpu.vector_load %arg7[%get3A_345, %get3A_346, %get3A_347] {strides = array<i32>} : memref<6x8x1024xf32, #tpu.memory_space<vmem>>, vector<1x1x16xf32>,
        %get3A_349 = vector.shape_cast %get3A_348 : vector<1x1x16xf32> to vector<16xf32>
        %sub3A_350 = arith.subf %get3A_342, %get3A_349 : vector<16xf32>
        %get3A_351 = arith.constant 2 : i32
        %get3A_352 = arith.constant 2 : i32
        %get3A_353 = arith.index_cast %get3A_351 : i32 to index
        %get3A_354 = arith.index_cast %get3A_352 : i32 to index
        %get3A_355 = arith.index_cast %mul3A_86 : i32 to index
        %get3A_356 = tpu.vector_load %arg7[%get3A_353, %get3A_354, %get3A_355] {strides = array<i32>} : memref<6x8x1024xf32, #tpu.memory_space<vmem>>, vector<1x1x16xf32>,
        %get3A_357 = vector.shape_cast %get3A_356 : vector<1x1x16xf32> to vector<16xf32>
        %get3A_358 = arith.constant 5 : i32
        %get3A_359 = arith.constant 2 : i32
        %get3A_360 = arith.index_cast %get3A_358 : i32 to index
        %get3A_361 = arith.index_cast %get3A_359 : i32 to index
        %get3A_362 = arith.index_cast %mul3A_86 : i32 to index
        %get3A_363 = tpu.vector_load %arg7[%get3A_360, %get3A_361, %get3A_362] {strides = array<i32>} : memref<6x8x1024xf32, #tpu.memory_space<vmem>>, vector<1x1x16xf32>,
        %get3A_364 = vector.shape_cast %get3A_363 : vector<1x1x16xf32> to vector<16xf32>
        %sub3A_365 = arith.subf %get3A_357, %get3A_364 : vector<16xf32>
        %mul3A_366 = arith.mulf %sub3A_335, %sub3A_335 : vector<16xf32>
        %mul3A_367 = arith.mulf %sub3A_350, %sub3A_350 : vector<16xf32>
        %add3A_368 = arith.addf %mul3A_366, %mul3A_367 : vector<16xf32>
        %mul3A_369 = arith.mulf %sub3A_365, %sub3A_365 : vector<16xf32>
        %add3A_370 = arith.addf %add3A_368, %mul3A_369 : vector<16xf32>
        %mul3A_371 = arith.mulf %add3A_370, %get3A_41 : vector<16xf32>
        %exp3A_372 = math.exp %mul3A_371 : vector<16xf32>
        %mul3A_373 = arith.mulf %get3A_38, %exp3A_372 : vector<16xf32>
        %add3A_374 = arith.addf %mul3A_373, %sub3A_44 : vector<16xf32>
        %lt3A_375 = arith.constant 0.030384494 : f32
        %lt3A_376 = vector.broadcast %lt3A_375 : f32 to vector<16xf32>
        %lt3A_377 = arith.cmpf olt, %add3A_370, %lt3A_376 : vector<16xf32>
        %jit3A_378 = arith.constant 1.000000e+00 : f32
        %broadcast_in_dim3A_379 = vector.broadcast %jit3A_378 : f32 to vector<16xf32>
        %select_n3A_380 = arith.select %lt3A_377, %add3A_374, %broadcast_in_dim3A_379 : vector<16xi1>, vector<16xf32>
        %bitcast_convert_type3A_381 = tpu.bitcast %select_n3A_380 : vector<16xf32> -> vector<16xi32>
        %shift_right_arithmetic3A_382 = arith.constant 23 : i32
        %shift_right_arithmetic3A_383 = vector.broadcast %shift_right_arithmetic3A_382 : i32 to vector<16xi32>
        %shift_right_arithmetic3A_384 = arith.shrsi %bitcast_convert_type3A_381, %shift_right_arithmetic3A_383 : vector<16xi32>
        %sub3A_385 = arith.constant 127 : i32
        %sub3A_386 = vector.broadcast %sub3A_385 : i32 to vector<16xi32>
        %sub3A_387 = arith.subi %shift_right_arithmetic3A_384, %sub3A_386 : vector<16xi32>
        %and3A_388 = arith.constant 8388607 : i32
        %and3A_389 = vector.broadcast %and3A_388 : i32 to vector<16xi32>
        %and3A_390 = arith.andi %bitcast_convert_type3A_381, %and3A_389 : vector<16xi32>
        %or3A_391 = arith.constant 1065353216 : i32
        %or3A_392 = vector.broadcast %or3A_391 : i32 to vector<16xi32>
        %or3A_393 = arith.ori %and3A_390, %or3A_392 : vector<16xi32>
        %bitcast_convert_type3A_394 = tpu.bitcast %or3A_393 : vector<16xi32> -> vector<16xf32>
        %gt3A_395 = arith.constant 1.41421354 : f32
        %gt3A_396 = vector.broadcast %gt3A_395 : f32 to vector<16xf32>
        %gt3A_397 = arith.cmpf ogt, %bitcast_convert_type3A_394, %gt3A_396 : vector<16xf32>
        %mul3A_398 = arith.constant 5.000000e-01 : f32
        %mul3A_399 = vector.broadcast %mul3A_398 : f32 to vector<16xf32>
        %mul3A_400 = arith.mulf %bitcast_convert_type3A_394, %mul3A_399 : vector<16xf32>
        %select_n3A_401 = arith.select %gt3A_397, %mul3A_400, %bitcast_convert_type3A_394 : vector<16xi1>, vector<16xf32>
        %jit3A_402 = arith.constant 1 : i32
        %jit3A_403 = arith.constant 0 : i32
        %broadcast_in_dim3A_404 = vector.broadcast %jit3A_402 : i32 to vector<16xi32>
        %broadcast_in_dim3A_405 = vector.broadcast %jit3A_403 : i32 to vector<16xi32>
        %select_n3A_406 = arith.select %gt3A_397, %broadcast_in_dim3A_404, %broadcast_in_dim3A_405 : vector<16xi1>, vector<16xi32>
        %add3A_407 = arith.addi %sub3A_387, %select_n3A_406 : vector<16xi32>
        %convert_element_type3A_408 = arith.sitofp %add3A_407 : vector<16xi32> to vector<16xf32>
        %sub3A_409 = arith.constant 1.000000e+00 : f32
        %sub3A_410 = vector.broadcast %sub3A_409 : f32 to vector<16xf32>
        %sub3A_411 = arith.subf %select_n3A_401, %sub3A_410 : vector<16xf32>
        %add3A_412 = arith.constant 2.000000e+00 : f32
        %add3A_413 = vector.broadcast %add3A_412 : f32 to vector<16xf32>
        %add3A_414 = arith.addf %add3A_413, %sub3A_411 : vector<16xf32>
        %div3A_415 = arith.divf %sub3A_411, %add3A_414 : vector<16xf32>
        %mul3A_416 = arith.mulf %div3A_415, %div3A_415 : vector<16xf32>
        %mul3A_417 = arith.constant 0.222222224 : f32
        %mul3A_418 = vector.broadcast %mul3A_417 : f32 to vector<16xf32>
        %mul3A_419 = arith.mulf %mul3A_416, %mul3A_418 : vector<16xf32>
        %add3A_420 = arith.constant 0.285714298 : f32
        %add3A_421 = vector.broadcast %add3A_420 : f32 to vector<16xf32>
        %add3A_422 = arith.addf %add3A_421, %mul3A_419 : vector<16xf32>
        %mul3A_423 = arith.mulf %mul3A_416, %add3A_422 : vector<16xf32>
        %add3A_424 = arith.constant 4.000000e-01 : f32
        %add3A_425 = vector.broadcast %add3A_424 : f32 to vector<16xf32>
        %add3A_426 = arith.addf %add3A_425, %mul3A_423 : vector<16xf32>
        %mul3A_427 = arith.mulf %mul3A_416, %add3A_426 : vector<16xf32>
        %add3A_428 = arith.constant 0.666666686 : f32
        %add3A_429 = vector.broadcast %add3A_428 : f32 to vector<16xf32>
        %add3A_430 = arith.addf %add3A_429, %mul3A_427 : vector<16xf32>
        %mul3A_431 = arith.mulf %mul3A_416, %add3A_430 : vector<16xf32>
        %add3A_432 = arith.constant 2.000000e+00 : f32
        %add3A_433 = vector.broadcast %add3A_432 : f32 to vector<16xf32>
        %add3A_434 = arith.addf %add3A_433, %mul3A_431 : vector<16xf32>
        %mul3A_435 = arith.mulf %div3A_415, %add3A_434 : vector<16xf32>
        %mul3A_436 = arith.constant 0.693147182 : f32
        %mul3A_437 = vector.broadcast %mul3A_436 : f32 to vector<16xf32>
        %mul3A_438 = arith.mulf %convert_element_type3A_408, %mul3A_437 : vector<16xf32>
        %add3A_439 = arith.addf %mul3A_435, %mul3A_438 : vector<16xf32>
        %add3A_440 = arith.addf %add3A_320, %add3A_439 : vector<16xf32>
        %get3A_441 = arith.constant 0 : i32
        %get3A_442 = arith.constant 3 : i32
        %get3A_443 = arith.index_cast %get3A_441 : i32 to index
        %get3A_444 = arith.index_cast %get3A_442 : i32 to index
        %get3A_445 = arith.index_cast %mul3A_86 : i32 to index
        %get3A_446 = tpu.vector_load %arg7[%get3A_443, %get3A_444, %get3A_445] {strides = array<i32>} : memref<6x8x1024xf32, #tpu.memory_space<vmem>>, vector<1x1x16xf32>,
        %get3A_447 = vector.shape_cast %get3A_446 : vector<1x1x16xf32> to vector<16xf32>
        %get3A_448 = arith.constant 3 : i32
        %get3A_449 = arith.constant 3 : i32
        %get3A_450 = arith.index_cast %get3A_448 : i32 to index
        %get3A_451 = arith.index_cast %get3A_449 : i32 to index
        %get3A_452 = arith.index_cast %mul3A_86 : i32 to index
        %get3A_453 = tpu.vector_load %arg7[%get3A_450, %get3A_451, %get3A_452] {strides = array<i32>} : memref<6x8x1024xf32, #tpu.memory_space<vmem>>, vector<1x1x16xf32>,
        %get3A_454 = vector.shape_cast %get3A_453 : vector<1x1x16xf32> to vector<16xf32>
        %sub3A_455 = arith.subf %get3A_447, %get3A_454 : vector<16xf32>
        %get3A_456 = arith.constant 1 : i32
        %get3A_457 = arith.constant 3 : i32
        %get3A_458 = arith.index_cast %get3A_456 : i32 to index
        %get3A_459 = arith.index_cast %get3A_457 : i32 to index
        %get3A_460 = arith.index_cast %mul3A_86 : i32 to index
        %get3A_461 = tpu.vector_load %arg7[%get3A_458, %get3A_459, %get3A_460] {strides = array<i32>} : memref<6x8x1024xf32, #tpu.memory_space<vmem>>, vector<1x1x16xf32>,
        %get3A_462 = vector.shape_cast %get3A_461 : vector<1x1x16xf32> to vector<16xf32>
        %get3A_463 = arith.constant 4 : i32
        %get3A_464 = arith.constant 3 : i32
        %get3A_465 = arith.index_cast %get3A_463 : i32 to index
        %get3A_466 = arith.index_cast %get3A_464 : i32 to index
        %get3A_467 = arith.index_cast %mul3A_86 : i32 to index
        %get3A_468 = tpu.vector_load %arg7[%get3A_465, %get3A_466, %get3A_467] {strides = array<i32>} : memref<6x8x1024xf32, #tpu.memory_space<vmem>>, vector<1x1x16xf32>,
        %get3A_469 = vector.shape_cast %get3A_468 : vector<1x1x16xf32> to vector<16xf32>
        %sub3A_470 = arith.subf %get3A_462, %get3A_469 : vector<16xf32>
        %get3A_471 = arith.constant 2 : i32
        %get3A_472 = arith.constant 3 : i32
        %get3A_473 = arith.index_cast %get3A_471 : i32 to index
        %get3A_474 = arith.index_cast %get3A_472 : i32 to index
        %get3A_475 = arith.index_cast %mul3A_86 : i32 to index
        %get3A_476 = tpu.vector_load %arg7[%get3A_473, %get3A_474, %get3A_475] {strides = array<i32>} : memref<6x8x1024xf32, #tpu.memory_space<vmem>>, vector<1x1x16xf32>,
        %get3A_477 = vector.shape_cast %get3A_476 : vector<1x1x16xf32> to vector<16xf32>
        %get3A_478 = arith.constant 5 : i32
        %get3A_479 = arith.constant 3 : i32
        %get3A_480 = arith.index_cast %get3A_478 : i32 to index
        %get3A_481 = arith.index_cast %get3A_479 : i32 to index
        %get3A_482 = arith.index_cast %mul3A_86 : i32 to index
        %get3A_483 = tpu.vector_load %arg7[%get3A_480, %get3A_481, %get3A_482] {strides = array<i32>} : memref<6x8x1024xf32, #tpu.memory_space<vmem>>, vector<1x1x16xf32>,
        %get3A_484 = vector.shape_cast %get3A_483 : vector<1x1x16xf32> to vector<16xf32>
        %sub3A_485 = arith.subf %get3A_477, %get3A_484 : vector<16xf32>
        %mul3A_486 = arith.mulf %sub3A_455, %sub3A_455 : vector<16xf32>
        %mul3A_487 = arith.mulf %sub3A_470, %sub3A_470 : vector<16xf32>
        %add3A_488 = arith.addf %mul3A_486, %mul3A_487 : vector<16xf32>
        %mul3A_489 = arith.mulf %sub3A_485, %sub3A_485 : vector<16xf32>
        %add3A_490 = arith.addf %add3A_488, %mul3A_489 : vector<16xf32>
        %mul3A_491 = arith.mulf %add3A_490, %get3A_41 : vector<16xf32>
        %exp3A_492 = math.exp %mul3A_491 : vector<16xf32>
        %mul3A_493 = arith.mulf %get3A_38, %exp3A_492 : vector<16xf32>
        %add3A_494 = arith.addf %mul3A_493, %sub3A_44 : vector<16xf32>
        %lt3A_495 = arith.constant 0.030384494 : f32
        %lt3A_496 = vector.broadcast %lt3A_495 : f32 to vector<16xf32>
        %lt3A_497 = arith.cmpf olt, %add3A_490, %lt3A_496 : vector<16xf32>
        %jit3A_498 = arith.constant 1.000000e+00 : f32
        %broadcast_in_dim3A_499 = vector.broadcast %jit3A_498 : f32 to vector<16xf32>
        %select_n3A_500 = arith.select %lt3A_497, %add3A_494, %broadcast_in_dim3A_499 : vector<16xi1>, vector<16xf32>
        %bitcast_convert_type3A_501 = tpu.bitcast %select_n3A_500 : vector<16xf32> -> vector<16xi32>
        %shift_right_arithmetic3A_502 = arith.constant 23 : i32
        %shift_right_arithmetic3A_503 = vector.broadcast %shift_right_arithmetic3A_502 : i32 to vector<16xi32>
        %shift_right_arithmetic3A_504 = arith.shrsi %bitcast_convert_type3A_501, %shift_right_arithmetic3A_503 : vector<16xi32>
        %sub3A_505 = arith.constant 127 : i32
        %sub3A_506 = vector.broadcast %sub3A_505 : i32 to vector<16xi32>
        %sub3A_507 = arith.subi %shift_right_arithmetic3A_504, %sub3A_506 : vector<16xi32>
        %and3A_508 = arith.constant 8388607 : i32
        %and3A_509 = vector.broadcast %and3A_508 : i32 to vector<16xi32>
        %and3A_510 = arith.andi %bitcast_convert_type3A_501, %and3A_509 : vector<16xi32>
        %or3A_511 = arith.constant 1065353216 : i32
        %or3A_512 = vector.broadcast %or3A_511 : i32 to vector<16xi32>
        %or3A_513 = arith.ori %and3A_510, %or3A_512 : vector<16xi32>
        %bitcast_convert_type3A_514 = tpu.bitcast %or3A_513 : vector<16xi32> -> vector<16xf32>
        %gt3A_515 = arith.constant 1.41421354 : f32
        %gt3A_516 = vector.broadcast %gt3A_515 : f32 to vector<16xf32>
        %gt3A_517 = arith.cmpf ogt, %bitcast_convert_type3A_514, %gt3A_516 : vector<16xf32>
        %mul3A_518 = arith.constant 5.000000e-01 : f32
        %mul3A_519 = vector.broadcast %mul3A_518 : f32 to vector<16xf32>
        %mul3A_520 = arith.mulf %bitcast_convert_type3A_514, %mul3A_519 : vector<16xf32>
        %select_n3A_521 = arith.select %gt3A_517, %mul3A_520, %bitcast_convert_type3A_514 : vector<16xi1>, vector<16xf32>
        %jit3A_522 = arith.constant 1 : i32
        %jit3A_523 = arith.constant 0 : i32
        %broadcast_in_dim3A_524 = vector.broadcast %jit3A_522 : i32 to vector<16xi32>
        %broadcast_in_dim3A_525 = vector.broadcast %jit3A_523 : i32 to vector<16xi32>
        %select_n3A_526 = arith.select %gt3A_517, %broadcast_in_dim3A_524, %broadcast_in_dim3A_525 : vector<16xi1>, vector<16xi32>
        %add3A_527 = arith.addi %sub3A_507, %select_n3A_526 : vector<16xi32>
        %convert_element_type3A_528 = arith.sitofp %add3A_527 : vector<16xi32> to vector<16xf32>
        %sub3A_529 = arith.constant 1.000000e+00 : f32
        %sub3A_530 = vector.broadcast %sub3A_529 : f32 to vector<16xf32>
        %sub3A_531 = arith.subf %select_n3A_521, %sub3A_530 : vector<16xf32>
        %add3A_532 = arith.constant 2.000000e+00 : f32
        %add3A_533 = vector.broadcast %add3A_532 : f32 to vector<16xf32>
        %add3A_534 = arith.addf %add3A_533, %sub3A_531 : vector<16xf32>
        %div3A_535 = arith.divf %sub3A_531, %add3A_534 : vector<16xf32>
        %mul3A_536 = arith.mulf %div3A_535, %div3A_535 : vector<16xf32>
        %mul3A_537 = arith.constant 0.222222224 : f32
        %mul3A_538 = vector.broadcast %mul3A_537 : f32 to vector<16xf32>
        %mul3A_539 = arith.mulf %mul3A_536, %mul3A_538 : vector<16xf32>
        %add3A_540 = arith.constant 0.285714298 : f32
        %add3A_541 = vector.broadcast %add3A_540 : f32 to vector<16xf32>
        %add3A_542 = arith.addf %add3A_541, %mul3A_539 : vector<16xf32>
        %mul3A_543 = arith.mulf %mul3A_536, %add3A_542 : vector<16xf32>
        %add3A_544 = arith.constant 4.000000e-01 : f32
        %add3A_545 = vector.broadcast %add3A_544 : f32 to vector<16xf32>
        %add3A_546 = arith.addf %add3A_545, %mul3A_543 : vector<16xf32>
        %mul3A_547 = arith.mulf %mul3A_536, %add3A_546 : vector<16xf32>
        %add3A_548 = arith.constant 0.666666686 : f32
        %add3A_549 = vector.broadcast %add3A_548 : f32 to vector<16xf32>
        %add3A_550 = arith.addf %add3A_549, %mul3A_547 : vector<16xf32>
        %mul3A_551 = arith.mulf %mul3A_536, %add3A_550 : vector<16xf32>
        %add3A_552 = arith.constant 2.000000e+00 : f32
        %add3A_553 = vector.broadcast %add3A_552 : f32 to vector<16xf32>
        %add3A_554 = arith.addf %add3A_553, %mul3A_551 : vector<16xf32>
        %mul3A_555 = arith.mulf %div3A_535, %add3A_554 : vector<16xf32>
        %mul3A_556 = arith.constant 0.693147182 : f32
        %mul3A_557 = vector.broadcast %mul3A_556 : f32 to vector<16xf32>
        %mul3A_558 = arith.mulf %convert_element_type3A_528, %mul3A_557 : vector<16xf32>
        %add3A_559 = arith.addf %mul3A_555, %mul3A_558 : vector<16xf32>
        %add3A_560 = arith.addf %add3A_440, %add3A_559 : vector<16xf32>
        %get3A_561 = arith.constant 0 : i32
        %get3A_562 = arith.constant 4 : i32
        %get3A_563 = arith.index_cast %get3A_561 : i32 to index
        %get3A_564 = arith.index_cast %get3A_562 : i32 to index
        %get3A_565 = arith.index_cast %mul3A_86 : i32 to index
        %get3A_566 = tpu.vector_load %arg7[%get3A_563, %get3A_564, %get3A_565] {strides = array<i32>} : memref<6x8x1024xf32, #tpu.memory_space<vmem>>, vector<1x1x16xf32>,
        %get3A_567 = vector.shape_cast %get3A_566 : vector<1x1x16xf32> to vector<16xf32>
        %get3A_568 = arith.constant 3 : i32
        %get3A_569 = arith.constant 4 : i32
        %get3A_570 = arith.index_cast %get3A_568 : i32 to index
        %get3A_571 = arith.index_cast %get3A_569 : i32 to index
        %get3A_572 = arith.index_cast %mul3A_86 : i32 to index
        %get3A_573 = tpu.vector_load %arg7[%get3A_570, %get3A_571, %get3A_572] {strides = array<i32>} : memref<6x8x1024xf32, #tpu.memory_space<vmem>>, vector<1x1x16xf32>,
        %get3A_574 = vector.shape_cast %get3A_573 : vector<1x1x16xf32> to vector<16xf32>
        %sub3A_575 = arith.subf %get3A_567, %get3A_574 : vector<16xf32>
        %get3A_576 = arith.constant 1 : i32
        %get3A_577 = arith.constant 4 : i32
        %get3A_578 = arith.index_cast %get3A_576 : i32 to index
        %get3A_579 = arith.index_cast %get3A_577 : i32 to index
        %get3A_580 = arith.index_cast %mul3A_86 : i32 to index
        %get3A_581 = tpu.vector_load %arg7[%get3A_578, %get3A_579, %get3A_580] {strides = array<i32>} : memref<6x8x1024xf32, #tpu.memory_space<vmem>>, vector<1x1x16xf32>,
        %get3A_582 = vector.shape_cast %get3A_581 : vector<1x1x16xf32> to vector<16xf32>
        %get3A_583 = arith.constant 4 : i32
        %get3A_584 = arith.constant 4 : i32
        %get3A_585 = arith.index_cast %get3A_583 : i32 to index
        %get3A_586 = arith.index_cast %get3A_584 : i32 to index
        %get3A_587 = arith.index_cast %mul3A_86 : i32 to index
        %get3A_588 = tpu.vector_load %arg7[%get3A_585, %get3A_586, %get3A_587] {strides = array<i32>} : memref<6x8x1024xf32, #tpu.memory_space<vmem>>, vector<1x1x16xf32>,
        %get3A_589 = vector.shape_cast %get3A_588 : vector<1x1x16xf32> to vector<16xf32>
        %sub3A_590 = arith.subf %get3A_582, %get3A_589 : vector<16xf32>
        %get3A_591 = arith.constant 2 : i32
        %get3A_592 = arith.constant 4 : i32
        %get3A_593 = arith.index_cast %get3A_591 : i32 to index
        %get3A_594 = arith.index_cast %get3A_592 : i32 to index
        %get3A_595 = arith.index_cast %mul3A_86 : i32 to index
        %get3A_596 = tpu.vector_load %arg7[%get3A_593, %get3A_594, %get3A_595] {strides = array<i32>} : memref<6x8x1024xf32, #tpu.memory_space<vmem>>, vector<1x1x16xf32>,
        %get3A_597 = vector.shape_cast %get3A_596 : vector<1x1x16xf32> to vector<16xf32>
        %get3A_598 = arith.constant 5 : i32
        %get3A_599 = arith.constant 4 : i32
        %get3A_600 = arith.index_cast %get3A_598 : i32 to index
        %get3A_601 = arith.index_cast %get3A_599 : i32 to index
        %get3A_602 = arith.index_cast %mul3A_86 : i32 to index
        %get3A_603 = tpu.vector_load %arg7[%get3A_600, %get3A_601, %get3A_602] {strides = array<i32>} : memref<6x8x1024xf32, #tpu.memory_space<vmem>>, vector<1x1x16xf32>,
        %get3A_604 = vector.shape_cast %get3A_603 : vector<1x1x16xf32> to vector<16xf32>
        %sub3A_605 = arith.subf %get3A_597, %get3A_604 : vector<16xf32>
        %mul3A_606 = arith.mulf %sub3A_575, %sub3A_575 : vector<16xf32>
        %mul3A_607 = arith.mulf %sub3A_590, %sub3A_590 : vector<16xf32>
        %add3A_608 = arith.addf %mul3A_606, %mul3A_607 : vector<16xf32>
        %mul3A_609 = arith.mulf %sub3A_605, %sub3A_605 : vector<16xf32>
        %add3A_610 = arith.addf %add3A_608, %mul3A_609 : vector<16xf32>
        %mul3A_611 = arith.mulf %add3A_610, %get3A_41 : vector<16xf32>
        %exp3A_612 = math.exp %mul3A_611 : vector<16xf32>
        %mul3A_613 = arith.mulf %get3A_38, %exp3A_612 : vector<16xf32>
        %add3A_614 = arith.addf %mul3A_613, %sub3A_44 : vector<16xf32>
        %lt3A_615 = arith.constant 0.030384494 : f32
        %lt3A_616 = vector.broadcast %lt3A_615 : f32 to vector<16xf32>
        %lt3A_617 = arith.cmpf olt, %add3A_610, %lt3A_616 : vector<16xf32>
        %jit3A_618 = arith.constant 1.000000e+00 : f32
        %broadcast_in_dim3A_619 = vector.broadcast %jit3A_618 : f32 to vector<16xf32>
        %select_n3A_620 = arith.select %lt3A_617, %add3A_614, %broadcast_in_dim3A_619 : vector<16xi1>, vector<16xf32>
        %bitcast_convert_type3A_621 = tpu.bitcast %select_n3A_620 : vector<16xf32> -> vector<16xi32>
        %shift_right_arithmetic3A_622 = arith.constant 23 : i32
        %shift_right_arithmetic3A_623 = vector.broadcast %shift_right_arithmetic3A_622 : i32 to vector<16xi32>
        %shift_right_arithmetic3A_624 = arith.shrsi %bitcast_convert_type3A_621, %shift_right_arithmetic3A_623 : vector<16xi32>
        %sub3A_625 = arith.constant 127 : i32
        %sub3A_626 = vector.broadcast %sub3A_625 : i32 to vector<16xi32>
        %sub3A_627 = arith.subi %shift_right_arithmetic3A_624, %sub3A_626 : vector<16xi32>
        %and3A_628 = arith.constant 8388607 : i32
        %and3A_629 = vector.broadcast %and3A_628 : i32 to vector<16xi32>
        %and3A_630 = arith.andi %bitcast_convert_type3A_621, %and3A_629 : vector<16xi32>
        %or3A_631 = arith.constant 1065353216 : i32
        %or3A_632 = vector.broadcast %or3A_631 : i32 to vector<16xi32>
        %or3A_633 = arith.ori %and3A_630, %or3A_632 : vector<16xi32>
        %bitcast_convert_type3A_634 = tpu.bitcast %or3A_633 : vector<16xi32> -> vector<16xf32>
        %gt3A_635 = arith.constant 1.41421354 : f32
        %gt3A_636 = vector.broadcast %gt3A_635 : f32 to vector<16xf32>
        %gt3A_637 = arith.cmpf ogt, %bitcast_convert_type3A_634, %gt3A_636 : vector<16xf32>
        %mul3A_638 = arith.constant 5.000000e-01 : f32
        %mul3A_639 = vector.broadcast %mul3A_638 : f32 to vector<16xf32>
        %mul3A_640 = arith.mulf %bitcast_convert_type3A_634, %mul3A_639 : vector<16xf32>
        %select_n3A_641 = arith.select %gt3A_637, %mul3A_640, %bitcast_convert_type3A_634 : vector<16xi1>, vector<16xf32>
        %jit3A_642 = arith.constant 1 : i32
        %jit3A_643 = arith.constant 0 : i32
        %broadcast_in_dim3A_644 = vector.broadcast %jit3A_642 : i32 to vector<16xi32>
        %broadcast_in_dim3A_645 = vector.broadcast %jit3A_643 : i32 to vector<16xi32>
        %select_n3A_646 = arith.select %gt3A_637, %broadcast_in_dim3A_644, %broadcast_in_dim3A_645 : vector<16xi1>, vector<16xi32>
        %add3A_647 = arith.addi %sub3A_627, %select_n3A_646 : vector<16xi32>
        %convert_element_type3A_648 = arith.sitofp %add3A_647 : vector<16xi32> to vector<16xf32>
        %sub3A_649 = arith.constant 1.000000e+00 : f32
        %sub3A_650 = vector.broadcast %sub3A_649 : f32 to vector<16xf32>
        %sub3A_651 = arith.subf %select_n3A_641, %sub3A_650 : vector<16xf32>
        %add3A_652 = arith.constant 2.000000e+00 : f32
        %add3A_653 = vector.broadcast %add3A_652 : f32 to vector<16xf32>
        %add3A_654 = arith.addf %add3A_653, %sub3A_651 : vector<16xf32>
        %div3A_655 = arith.divf %sub3A_651, %add3A_654 : vector<16xf32>
        %mul3A_656 = arith.mulf %div3A_655, %div3A_655 : vector<16xf32>
        %mul3A_657 = arith.constant 0.222222224 : f32
        %mul3A_658 = vector.broadcast %mul3A_657 : f32 to vector<16xf32>
        %mul3A_659 = arith.mulf %mul3A_656, %mul3A_658 : vector<16xf32>
        %add3A_660 = arith.constant 0.285714298 : f32
        %add3A_661 = vector.broadcast %add3A_660 : f32 to vector<16xf32>
        %add3A_662 = arith.addf %add3A_661, %mul3A_659 : vector<16xf32>
        %mul3A_663 = arith.mulf %mul3A_656, %add3A_662 : vector<16xf32>
        %add3A_664 = arith.constant 4.000000e-01 : f32
        %add3A_665 = vector.broadcast %add3A_664 : f32 to vector<16xf32>
        %add3A_666 = arith.addf %add3A_665, %mul3A_663 : vector<16xf32>
        %mul3A_667 = arith.mulf %mul3A_656, %add3A_666 : vector<16xf32>
        %add3A_668 = arith.constant 0.666666686 : f32
        %add3A_669 = vector.broadcast %add3A_668 : f32 to vector<16xf32>
        %add3A_670 = arith.addf %add3A_669, %mul3A_667 : vector<16xf32>
        %mul3A_671 = arith.mulf %mul3A_656, %add3A_670 : vector<16xf32>
        %add3A_672 = arith.constant 2.000000e+00 : f32
        %add3A_673 = vector.broadcast %add3A_672 : f32 to vector<16xf32>
        %add3A_674 = arith.addf %add3A_673, %mul3A_671 : vector<16xf32>
        %mul3A_675 = arith.mulf %div3A_655, %add3A_674 : vector<16xf32>
        %mul3A_676 = arith.constant 0.693147182 : f32
        %mul3A_677 = vector.broadcast %mul3A_676 : f32 to vector<16xf32>
        %mul3A_678 = arith.mulf %convert_element_type3A_648, %mul3A_677 : vector<16xf32>
        %add3A_679 = arith.addf %mul3A_675, %mul3A_678 : vector<16xf32>
        %add3A_680 = arith.addf %add3A_560, %add3A_679 : vector<16xf32>
        %get3A_681 = arith.constant 0 : i32
        %get3A_682 = arith.constant 5 : i32
        %get3A_683 = arith.index_cast %get3A_681 : i32 to index
        %get3A_684 = arith.index_cast %get3A_682 : i32 to index
        %get3A_685 = arith.index_cast %mul3A_86 : i32 to index
        %get3A_686 = tpu.vector_load %arg7[%get3A_683, %get3A_684, %get3A_685] {strides = array<i32>} : memref<6x8x1024xf32, #tpu.memory_space<vmem>>, vector<1x1x16xf32>,
        %get3A_687 = vector.shape_cast %get3A_686 : vector<1x1x16xf32> to vector<16xf32>
        %get3A_688 = arith.constant 3 : i32
        %get3A_689 = arith.constant 5 : i32
        %get3A_690 = arith.index_cast %get3A_688 : i32 to index
        %get3A_691 = arith.index_cast %get3A_689 : i32 to index
        %get3A_692 = arith.index_cast %mul3A_86 : i32 to index
        %get3A_693 = tpu.vector_load %arg7[%get3A_690, %get3A_691, %get3A_692] {strides = array<i32>} : memref<6x8x1024xf32, #tpu.memory_space<vmem>>, vector<1x1x16xf32>,
        %get3A_694 = vector.shape_cast %get3A_693 : vector<1x1x16xf32> to vector<16xf32>
        %sub3A_695 = arith.subf %get3A_687, %get3A_694 : vector<16xf32>
        %get3A_696 = arith.constant 1 : i32
        %get3A_697 = arith.constant 5 : i32
        %get3A_698 = arith.index_cast %get3A_696 : i32 to index
        %get3A_699 = arith.index_cast %get3A_697 : i32 to index
        %get3A_700 = arith.index_cast %mul3A_86 : i32 to index
        %get3A_701 = tpu.vector_load %arg7[%get3A_698, %get3A_699, %get3A_700] {strides = array<i32>} : memref<6x8x1024xf32, #tpu.memory_space<vmem>>, vector<1x1x16xf32>,
        %get3A_702 = vector.shape_cast %get3A_701 : vector<1x1x16xf32> to vector<16xf32>
        %get3A_703 = arith.constant 4 : i32
        %get3A_704 = arith.constant 5 : i32
        %get3A_705 = arith.index_cast %get3A_703 : i32 to index
        %get3A_706 = arith.index_cast %get3A_704 : i32 to index
        %get3A_707 = arith.index_cast %mul3A_86 : i32 to index
        %get3A_708 = tpu.vector_load %arg7[%get3A_705, %get3A_706, %get3A_707] {strides = array<i32>} : memref<6x8x1024xf32, #tpu.memory_space<vmem>>, vector<1x1x16xf32>,
        %get3A_709 = vector.shape_cast %get3A_708 : vector<1x1x16xf32> to vector<16xf32>
        %sub3A_710 = arith.subf %get3A_702, %get3A_709 : vector<16xf32>
        %get3A_711 = arith.constant 2 : i32
        %get3A_712 = arith.constant 5 : i32
        %get3A_713 = arith.index_cast %get3A_711 : i32 to index
        %get3A_714 = arith.index_cast %get3A_712 : i32 to index
        %get3A_715 = arith.index_cast %mul3A_86 : i32 to index
        %get3A_716 = tpu.vector_load %arg7[%get3A_713, %get3A_714, %get3A_715] {strides = array<i32>} : memref<6x8x1024xf32, #tpu.memory_space<vmem>>, vector<1x1x16xf32>,
        %get3A_717 = vector.shape_cast %get3A_716 : vector<1x1x16xf32> to vector<16xf32>
        %get3A_718 = arith.constant 5 : i32
        %get3A_719 = arith.constant 5 : i32
        %get3A_720 = arith.index_cast %get3A_718 : i32 to index
        %get3A_721 = arith.index_cast %get3A_719 : i32 to index
        %get3A_722 = arith.index_cast %mul3A_86 : i32 to index
        %get3A_723 = tpu.vector_load %arg7[%get3A_720, %get3A_721, %get3A_722] {strides = array<i32>} : memref<6x8x1024xf32, #tpu.memory_space<vmem>>, vector<1x1x16xf32>,
        %get3A_724 = vector.shape_cast %get3A_723 : vector<1x1x16xf32> to vector<16xf32>
        %sub3A_725 = arith.subf %get3A_717, %get3A_724 : vector<16xf32>
        %mul3A_726 = arith.mulf %sub3A_695, %sub3A_695 : vector<16xf32>
        %mul3A_727 = arith.mulf %sub3A_710, %sub3A_710 : vector<16xf32>
        %add3A_728 = arith.addf %mul3A_726, %mul3A_727 : vector<16xf32>
        %mul3A_729 = arith.mulf %sub3A_725, %sub3A_725 : vector<16xf32>
        %add3A_730 = arith.addf %add3A_728, %mul3A_729 : vector<16xf32>
        %mul3A_731 = arith.mulf %add3A_730, %get3A_41 : vector<16xf32>
        %exp3A_732 = math.exp %mul3A_731 : vector<16xf32>
        %mul3A_733 = arith.mulf %get3A_38, %exp3A_732 : vector<16xf32>
        %add3A_734 = arith.addf %mul3A_733, %sub3A_44 : vector<16xf32>
        %lt3A_735 = arith.constant 0.030384494 : f32
        %lt3A_736 = vector.broadcast %lt3A_735 : f32 to vector<16xf32>
        %lt3A_737 = arith.cmpf olt, %add3A_730, %lt3A_736 : vector<16xf32>
        %jit3A_738 = arith.constant 1.000000e+00 : f32
        %broadcast_in_dim3A_739 = vector.broadcast %jit3A_738 : f32 to vector<16xf32>
        %select_n3A_740 = arith.select %lt3A_737, %add3A_734, %broadcast_in_dim3A_739 : vector<16xi1>, vector<16xf32>
        %bitcast_convert_type3A_741 = tpu.bitcast %select_n3A_740 : vector<16xf32> -> vector<16xi32>
        %shift_right_arithmetic3A_742 = arith.constant 23 : i32
        %shift_right_arithmetic3A_743 = vector.broadcast %shift_right_arithmetic3A_742 : i32 to vector<16xi32>
        %shift_right_arithmetic3A_744 = arith.shrsi %bitcast_convert_type3A_741, %shift_right_arithmetic3A_743 : vector<16xi32>
        %sub3A_745 = arith.constant 127 : i32
        %sub3A_746 = vector.broadcast %sub3A_745 : i32 to vector<16xi32>
        %sub3A_747 = arith.subi %shift_right_arithmetic3A_744, %sub3A_746 : vector<16xi32>
        %and3A_748 = arith.constant 8388607 : i32
        %and3A_749 = vector.broadcast %and3A_748 : i32 to vector<16xi32>
        %and3A_750 = arith.andi %bitcast_convert_type3A_741, %and3A_749 : vector<16xi32>
        %or3A_751 = arith.constant 1065353216 : i32
        %or3A_752 = vector.broadcast %or3A_751 : i32 to vector<16xi32>
        %or3A_753 = arith.ori %and3A_750, %or3A_752 : vector<16xi32>
        %bitcast_convert_type3A_754 = tpu.bitcast %or3A_753 : vector<16xi32> -> vector<16xf32>
        %gt3A_755 = arith.constant 1.41421354 : f32
        %gt3A_756 = vector.broadcast %gt3A_755 : f32 to vector<16xf32>
        %gt3A_757 = arith.cmpf ogt, %bitcast_convert_type3A_754, %gt3A_756 : vector<16xf32>
        %mul3A_758 = arith.constant 5.000000e-01 : f32
        %mul3A_759 = vector.broadcast %mul3A_758 : f32 to vector<16xf32>
        %mul3A_760 = arith.mulf %bitcast_convert_type3A_754, %mul3A_759 : vector<16xf32>
        %select_n3A_761 = arith.select %gt3A_757, %mul3A_760, %bitcast_convert_type3A_754 : vector<16xi1>, vector<16xf32>
        %jit3A_762 = arith.constant 1 : i32
        %jit3A_763 = arith.constant 0 : i32
        %broadcast_in_dim3A_764 = vector.broadcast %jit3A_762 : i32 to vector<16xi32>
        %broadcast_in_dim3A_765 = vector.broadcast %jit3A_763 : i32 to vector<16xi32>
        %select_n3A_766 = arith.select %gt3A_757, %broadcast_in_dim3A_764, %broadcast_in_dim3A_765 : vector<16xi1>, vector<16xi32>
        %add3A_767 = arith.addi %sub3A_747, %select_n3A_766 : vector<16xi32>
        %convert_element_type3A_768 = arith.sitofp %add3A_767 : vector<16xi32> to vector<16xf32>
        %sub3A_769 = arith.constant 1.000000e+00 : f32
        %sub3A_770 = vector.broadcast %sub3A_769 : f32 to vector<16xf32>
        %sub3A_771 = arith.subf %select_n3A_761, %sub3A_770 : vector<16xf32>
        %add3A_772 = arith.constant 2.000000e+00 : f32
        %add3A_773 = vector.broadcast %add3A_772 : f32 to vector<16xf32>
        %add3A_774 = arith.addf %add3A_773, %sub3A_771 : vector<16xf32>
        %div3A_775 = arith.divf %sub3A_771, %add3A_774 : vector<16xf32>
        %mul3A_776 = arith.mulf %div3A_775, %div3A_775 : vector<16xf32>
        %mul3A_777 = arith.constant 0.222222224 : f32
        %mul3A_778 = vector.broadcast %mul3A_777 : f32 to vector<16xf32>
        %mul3A_779 = arith.mulf %mul3A_776, %mul3A_778 : vector<16xf32>
        %add3A_780 = arith.constant 0.285714298 : f32
        %add3A_781 = vector.broadcast %add3A_780 : f32 to vector<16xf32>
        %add3A_782 = arith.addf %add3A_781, %mul3A_779 : vector<16xf32>
        %mul3A_783 = arith.mulf %mul3A_776, %add3A_782 : vector<16xf32>
        %add3A_784 = arith.constant 4.000000e-01 : f32
        %add3A_785 = vector.broadcast %add3A_784 : f32 to vector<16xf32>
        %add3A_786 = arith.addf %add3A_785, %mul3A_783 : vector<16xf32>
        %mul3A_787 = arith.mulf %mul3A_776, %add3A_786 : vector<16xf32>
        %add3A_788 = arith.constant 0.666666686 : f32
        %add3A_789 = vector.broadcast %add3A_788 : f32 to vector<16xf32>
        %add3A_790 = arith.addf %add3A_789, %mul3A_787 : vector<16xf32>
        %mul3A_791 = arith.mulf %mul3A_776, %add3A_790 : vector<16xf32>
        %add3A_792 = arith.constant 2.000000e+00 : f32
        %add3A_793 = vector.broadcast %add3A_792 : f32 to vector<16xf32>
        %add3A_794 = arith.addf %add3A_793, %mul3A_791 : vector<16xf32>
        %mul3A_795 = arith.mulf %div3A_775, %add3A_794 : vector<16xf32>
        %mul3A_796 = arith.constant 0.693147182 : f32
        %mul3A_797 = vector.broadcast %mul3A_796 : f32 to vector<16xf32>
        %mul3A_798 = arith.mulf %convert_element_type3A_768, %mul3A_797 : vector<16xf32>
        %add3A_799 = arith.addf %mul3A_795, %mul3A_798 : vector<16xf32>
        %add3A_800 = arith.addf %add3A_680, %add3A_799 : vector<16xf32>
        %get3A_801 = arith.constant 0 : i32
        %get3A_802 = arith.constant 6 : i32
        %get3A_803 = arith.index_cast %get3A_801 : i32 to index
        %get3A_804 = arith.index_cast %get3A_802 : i32 to index
        %get3A_805 = arith.index_cast %mul3A_86 : i32 to index
        %get3A_806 = tpu.vector_load %arg7[%get3A_803, %get3A_804, %get3A_805] {strides = array<i32>} : memref<6x8x1024xf32, #tpu.memory_space<vmem>>, vector<1x1x16xf32>,
        %get3A_807 = vector.shape_cast %get3A_806 : vector<1x1x16xf32> to vector<16xf32>
        %get3A_808 = arith.constant 3 : i32
        %get3A_809 = arith.constant 6 : i32
        %get3A_810 = arith.index_cast %get3A_808 : i32 to index
        %get3A_811 = arith.index_cast %get3A_809 : i32 to index
        %get3A_812 = arith.index_cast %mul3A_86 : i32 to index
        %get3A_813 = tpu.vector_load %arg7[%get3A_810, %get3A_811, %get3A_812] {strides = array<i32>} : memref<6x8x1024xf32, #tpu.memory_space<vmem>>, vector<1x1x16xf32>,
        %get3A_814 = vector.shape_cast %get3A_813 : vector<1x1x16xf32> to vector<16xf32>
        %sub3A_815 = arith.subf %get3A_807, %get3A_814 : vector<16xf32>
        %get3A_816 = arith.constant 1 : i32
        %get3A_817 = arith.constant 6 : i32
        %get3A_818 = arith.index_cast %get3A_816 : i32 to index
        %get3A_819 = arith.index_cast %get3A_817 : i32 to index
        %get3A_820 = arith.index_cast %mul3A_86 : i32 to index
        %get3A_821 = tpu.vector_load %arg7[%get3A_818, %get3A_819, %get3A_820] {strides = array<i32>} : memref<6x8x1024xf32, #tpu.memory_space<vmem>>, vector<1x1x16xf32>,
        %get3A_822 = vector.shape_cast %get3A_821 : vector<1x1x16xf32> to vector<16xf32>
        %get3A_823 = arith.constant 4 : i32
        %get3A_824 = arith.constant 6 : i32
        %get3A_825 = arith.index_cast %get3A_823 : i32 to index
        %get3A_826 = arith.index_cast %get3A_824 : i32 to index
        %get3A_827 = arith.index_cast %mul3A_86 : i32 to index
        %get3A_828 = tpu.vector_load %arg7[%get3A_825, %get3A_826, %get3A_827] {strides = array<i32>} : memref<6x8x1024xf32, #tpu.memory_space<vmem>>, vector<1x1x16xf32>,
        %get3A_829 = vector.shape_cast %get3A_828 : vector<1x1x16xf32> to vector<16xf32>
        %sub3A_830 = arith.subf %get3A_822, %get3A_829 : vector<16xf32>
        %get3A_831 = arith.constant 2 : i32
        %get3A_832 = arith.constant 6 : i32
        %get3A_833 = arith.index_cast %get3A_831 : i32 to index
        %get3A_834 = arith.index_cast %get3A_832 : i32 to index
        %get3A_835 = arith.index_cast %mul3A_86 : i32 to index
        %get3A_836 = tpu.vector_load %arg7[%get3A_833, %get3A_834, %get3A_835] {strides = array<i32>} : memref<6x8x1024xf32, #tpu.memory_space<vmem>>, vector<1x1x16xf32>,
        %get3A_837 = vector.shape_cast %get3A_836 : vector<1x1x16xf32> to vector<16xf32>
        %get3A_838 = arith.constant 5 : i32
        %get3A_839 = arith.constant 6 : i32
        %get3A_840 = arith.index_cast %get3A_838 : i32 to index
        %get3A_841 = arith.index_cast %get3A_839 : i32 to index
        %get3A_842 = arith.index_cast %mul3A_86 : i32 to index
        %get3A_843 = tpu.vector_load %arg7[%get3A_840, %get3A_841, %get3A_842] {strides = array<i32>} : memref<6x8x1024xf32, #tpu.memory_space<vmem>>, vector<1x1x16xf32>,
        %get3A_844 = vector.shape_cast %get3A_843 : vector<1x1x16xf32> to vector<16xf32>
        %sub3A_845 = arith.subf %get3A_837, %get3A_844 : vector<16xf32>
        %mul3A_846 = arith.mulf %sub3A_815, %sub3A_815 : vector<16xf32>
        %mul3A_847 = arith.mulf %sub3A_830, %sub3A_830 : vector<16xf32>
        %add3A_848 = arith.addf %mul3A_846, %mul3A_847 : vector<16xf32>
        %mul3A_849 = arith.mulf %sub3A_845, %sub3A_845 : vector<16xf32>
        %add3A_850 = arith.addf %add3A_848, %mul3A_849 : vector<16xf32>
        %mul3A_851 = arith.mulf %add3A_850, %get3A_41 : vector<16xf32>
        %exp3A_852 = math.exp %mul3A_851 : vector<16xf32>
        %mul3A_853 = arith.mulf %get3A_38, %exp3A_852 : vector<16xf32>
        %add3A_854 = arith.addf %mul3A_853, %sub3A_44 : vector<16xf32>
        %lt3A_855 = arith.constant 0.030384494 : f32
        %lt3A_856 = vector.broadcast %lt3A_855 : f32 to vector<16xf32>
        %lt3A_857 = arith.cmpf olt, %add3A_850, %lt3A_856 : vector<16xf32>
        %jit3A_858 = arith.constant 1.000000e+00 : f32
        %broadcast_in_dim3A_859 = vector.broadcast %jit3A_858 : f32 to vector<16xf32>
        %select_n3A_860 = arith.select %lt3A_857, %add3A_854, %broadcast_in_dim3A_859 : vector<16xi1>, vector<16xf32>
        %bitcast_convert_type3A_861 = tpu.bitcast %select_n3A_860 : vector<16xf32> -> vector<16xi32>
        %shift_right_arithmetic3A_862 = arith.constant 23 : i32
        %shift_right_arithmetic3A_863 = vector.broadcast %shift_right_arithmetic3A_862 : i32 to vector<16xi32>
        %shift_right_arithmetic3A_864 = arith.shrsi %bitcast_convert_type3A_861, %shift_right_arithmetic3A_863 : vector<16xi32>
        %sub3A_865 = arith.constant 127 : i32
        %sub3A_866 = vector.broadcast %sub3A_865 : i32 to vector<16xi32>
        %sub3A_867 = arith.subi %shift_right_arithmetic3A_864, %sub3A_866 : vector<16xi32>
        %and3A_868 = arith.constant 8388607 : i32
        %and3A_869 = vector.broadcast %and3A_868 : i32 to vector<16xi32>
        %and3A_870 = arith.andi %bitcast_convert_type3A_861, %and3A_869 : vector<16xi32>
        %or3A_871 = arith.constant 1065353216 : i32
        %or3A_872 = vector.broadcast %or3A_871 : i32 to vector<16xi32>
        %or3A_873 = arith.ori %and3A_870, %or3A_872 : vector<16xi32>
        %bitcast_convert_type3A_874 = tpu.bitcast %or3A_873 : vector<16xi32> -> vector<16xf32>
        %gt3A_875 = arith.constant 1.41421354 : f32
        %gt3A_876 = vector.broadcast %gt3A_875 : f32 to vector<16xf32>
        %gt3A_877 = arith.cmpf ogt, %bitcast_convert_type3A_874, %gt3A_876 : vector<16xf32>
        %mul3A_878 = arith.constant 5.000000e-01 : f32
        %mul3A_879 = vector.broadcast %mul3A_878 : f32 to vector<16xf32>
        %mul3A_880 = arith.mulf %bitcast_convert_type3A_874, %mul3A_879 : vector<16xf32>
        %select_n3A_881 = arith.select %gt3A_877, %mul3A_880, %bitcast_convert_type3A_874 : vector<16xi1>, vector<16xf32>
        %jit3A_882 = arith.constant 1 : i32
        %jit3A_883 = arith.constant 0 : i32
        %broadcast_in_dim3A_884 = vector.broadcast %jit3A_882 : i32 to vector<16xi32>
        %broadcast_in_dim3A_885 = vector.broadcast %jit3A_883 : i32 to vector<16xi32>
        %select_n3A_886 = arith.select %gt3A_877, %broadcast_in_dim3A_884, %broadcast_in_dim3A_885 : vector<16xi1>, vector<16xi32>
        %add3A_887 = arith.addi %sub3A_867, %select_n3A_886 : vector<16xi32>
        %convert_element_type3A_888 = arith.sitofp %add3A_887 : vector<16xi32> to vector<16xf32>
        %sub3A_889 = arith.constant 1.000000e+00 : f32
        %sub3A_890 = vector.broadcast %sub3A_889 : f32 to vector<16xf32>
        %sub3A_891 = arith.subf %select_n3A_881, %sub3A_890 : vector<16xf32>
        %add3A_892 = arith.constant 2.000000e+00 : f32
        %add3A_893 = vector.broadcast %add3A_892 : f32 to vector<16xf32>
        %add3A_894 = arith.addf %add3A_893, %sub3A_891 : vector<16xf32>
        %div3A_895 = arith.divf %sub3A_891, %add3A_894 : vector<16xf32>
        %mul3A_896 = arith.mulf %div3A_895, %div3A_895 : vector<16xf32>
        %mul3A_897 = arith.constant 0.222222224 : f32
        %mul3A_898 = vector.broadcast %mul3A_897 : f32 to vector<16xf32>
        %mul3A_899 = arith.mulf %mul3A_896, %mul3A_898 : vector<16xf32>
        %add3A_900 = arith.constant 0.285714298 : f32
        %add3A_901 = vector.broadcast %add3A_900 : f32 to vector<16xf32>
        %add3A_902 = arith.addf %add3A_901, %mul3A_899 : vector<16xf32>
        %mul3A_903 = arith.mulf %mul3A_896, %add3A_902 : vector<16xf32>
        %add3A_904 = arith.constant 4.000000e-01 : f32
        %add3A_905 = vector.broadcast %add3A_904 : f32 to vector<16xf32>
        %add3A_906 = arith.addf %add3A_905, %mul3A_903 : vector<16xf32>
        %mul3A_907 = arith.mulf %mul3A_896, %add3A_906 : vector<16xf32>
        %add3A_908 = arith.constant 0.666666686 : f32
        %add3A_909 = vector.broadcast %add3A_908 : f32 to vector<16xf32>
        %add3A_910 = arith.addf %add3A_909, %mul3A_907 : vector<16xf32>
        %mul3A_911 = arith.mulf %mul3A_896, %add3A_910 : vector<16xf32>
        %add3A_912 = arith.constant 2.000000e+00 : f32
        %add3A_913 = vector.broadcast %add3A_912 : f32 to vector<16xf32>
        %add3A_914 = arith.addf %add3A_913, %mul3A_911 : vector<16xf32>
        %mul3A_915 = arith.mulf %div3A_895, %add3A_914 : vector<16xf32>
        %mul3A_916 = arith.constant 0.693147182 : f32
        %mul3A_917 = vector.broadcast %mul3A_916 : f32 to vector<16xf32>
        %mul3A_918 = arith.mulf %convert_element_type3A_888, %mul3A_917 : vector<16xf32>
        %add3A_919 = arith.addf %mul3A_915, %mul3A_918 : vector<16xf32>
        %add3A_920 = arith.addf %add3A_800, %add3A_919 : vector<16xf32>
        %get3A_921 = arith.constant 0 : i32
        %get3A_922 = arith.constant 7 : i32
        %get3A_923 = arith.index_cast %get3A_921 : i32 to index
        %get3A_924 = arith.index_cast %get3A_922 : i32 to index
        %get3A_925 = arith.index_cast %mul3A_86 : i32 to index
        %get3A_926 = tpu.vector_load %arg7[%get3A_923, %get3A_924, %get3A_925] {strides = array<i32>} : memref<6x8x1024xf32, #tpu.memory_space<vmem>>, vector<1x1x16xf32>,
        %get3A_927 = vector.shape_cast %get3A_926 : vector<1x1x16xf32> to vector<16xf32>
        %get3A_928 = arith.constant 3 : i32
        %get3A_929 = arith.constant 7 : i32
        %get3A_930 = arith.index_cast %get3A_928 : i32 to index
        %get3A_931 = arith.index_cast %get3A_929 : i32 to index
        %get3A_932 = arith.index_cast %mul3A_86 : i32 to index
        %get3A_933 = tpu.vector_load %arg7[%get3A_930, %get3A_931, %get3A_932] {strides = array<i32>} : memref<6x8x1024xf32, #tpu.memory_space<vmem>>, vector<1x1x16xf32>,
        %get3A_934 = vector.shape_cast %get3A_933 : vector<1x1x16xf32> to vector<16xf32>
        %sub3A_935 = arith.subf %get3A_927, %get3A_934 : vector<16xf32>
        %get3A_936 = arith.constant 1 : i32
        %get3A_937 = arith.constant 7 : i32
        %get3A_938 = arith.index_cast %get3A_936 : i32 to index
        %get3A_939 = arith.index_cast %get3A_937 : i32 to index
        %get3A_940 = arith.index_cast %mul3A_86 : i32 to index
        %get3A_941 = tpu.vector_load %arg7[%get3A_938, %get3A_939, %get3A_940] {strides = array<i32>} : memref<6x8x1024xf32, #tpu.memory_space<vmem>>, vector<1x1x16xf32>,
        %get3A_942 = vector.shape_cast %get3A_941 : vector<1x1x16xf32> to vector<16xf32>
        %get3A_943 = arith.constant 4 : i32
        %get3A_944 = arith.constant 7 : i32
        %get3A_945 = arith.index_cast %get3A_943 : i32 to index
        %get3A_946 = arith.index_cast %get3A_944 : i32 to index
        %get3A_947 = arith.index_cast %mul3A_86 : i32 to index
        %get3A_948 = tpu.vector_load %arg7[%get3A_945, %get3A_946, %get3A_947] {strides = array<i32>} : memref<6x8x1024xf32, #tpu.memory_space<vmem>>, vector<1x1x16xf32>,
        %get3A_949 = vector.shape_cast %get3A_948 : vector<1x1x16xf32> to vector<16xf32>
        %sub3A_950 = arith.subf %get3A_942, %get3A_949 : vector<16xf32>
        %get3A_951 = arith.constant 2 : i32
        %get3A_952 = arith.constant 7 : i32
        %get3A_953 = arith.index_cast %get3A_951 : i32 to index
        %get3A_954 = arith.index_cast %get3A_952 : i32 to index
        %get3A_955 = arith.index_cast %mul3A_86 : i32 to index
        %get3A_956 = tpu.vector_load %arg7[%get3A_953, %get3A_954, %get3A_955] {strides = array<i32>} : memref<6x8x1024xf32, #tpu.memory_space<vmem>>, vector<1x1x16xf32>,
        %get3A_957 = vector.shape_cast %get3A_956 : vector<1x1x16xf32> to vector<16xf32>
        %get3A_958 = arith.constant 5 : i32
        %get3A_959 = arith.constant 7 : i32
        %get3A_960 = arith.index_cast %get3A_958 : i32 to index
        %get3A_961 = arith.index_cast %get3A_959 : i32 to index
        %get3A_962 = arith.index_cast %mul3A_86 : i32 to index
        %get3A_963 = tpu.vector_load %arg7[%get3A_960, %get3A_961, %get3A_962] {strides = array<i32>} : memref<6x8x1024xf32, #tpu.memory_space<vmem>>, vector<1x1x16xf32>,
        %get3A_964 = vector.shape_cast %get3A_963 : vector<1x1x16xf32> to vector<16xf32>
        %sub3A_965 = arith.subf %get3A_957, %get3A_964 : vector<16xf32>
        %mul3A_966 = arith.mulf %sub3A_935, %sub3A_935 : vector<16xf32>
        %mul3A_967 = arith.mulf %sub3A_950, %sub3A_950 : vector<16xf32>
        %add3A_968 = arith.addf %mul3A_966, %mul3A_967 : vector<16xf32>
        %mul3A_969 = arith.mulf %sub3A_965, %sub3A_965 : vector<16xf32>
        %add3A_970 = arith.addf %add3A_968, %mul3A_969 : vector<16xf32>
        %mul3A_971 = arith.mulf %add3A_970, %get3A_41 : vector<16xf32>
        %exp3A_972 = math.exp %mul3A_971 : vector<16xf32>
        %mul3A_973 = arith.mulf %get3A_38, %exp3A_972 : vector<16xf32>
        %add3A_974 = arith.addf %mul3A_973, %sub3A_44 : vector<16xf32>
        %lt3A_975 = arith.constant 0.030384494 : f32
        %lt3A_976 = vector.broadcast %lt3A_975 : f32 to vector<16xf32>
        %lt3A_977 = arith.cmpf olt, %add3A_970, %lt3A_976 : vector<16xf32>
        %jit3A_978 = arith.constant 1.000000e+00 : f32
        %broadcast_in_dim3A_979 = vector.broadcast %jit3A_978 : f32 to vector<16xf32>
        %select_n3A_980 = arith.select %lt3A_977, %add3A_974, %broadcast_in_dim3A_979 : vector<16xi1>, vector<16xf32>
        %bitcast_convert_type3A_981 = tpu.bitcast %select_n3A_980 : vector<16xf32> -> vector<16xi32>
        %shift_right_arithmetic3A_982 = arith.constant 23 : i32
        %shift_right_arithmetic3A_983 = vector.broadcast %shift_right_arithmetic3A_982 : i32 to vector<16xi32>
        %shift_right_arithmetic3A_984 = arith.shrsi %bitcast_convert_type3A_981, %shift_right_arithmetic3A_983 : vector<16xi32>
        %sub3A_985 = arith.constant 127 : i32
        %sub3A_986 = vector.broadcast %sub3A_985 : i32 to vector<16xi32>
        %sub3A_987 = arith.subi %shift_right_arithmetic3A_984, %sub3A_986 : vector<16xi32>
        %and3A_988 = arith.constant 8388607 : i32
        %and3A_989 = vector.broadcast %and3A_988 : i32 to vector<16xi32>
        %and3A_990 = arith.andi %bitcast_convert_type3A_981, %and3A_989 : vector<16xi32>
        %or3A_991 = arith.constant 1065353216 : i32
        %or3A_992 = vector.broadcast %or3A_991 : i32 to vector<16xi32>
        %or3A_993 = arith.ori %and3A_990, %or3A_992 : vector<16xi32>
        %bitcast_convert_type3A_994 = tpu.bitcast %or3A_993 : vector<16xi32> -> vector<16xf32>
        %gt3A_995 = arith.constant 1.41421354 : f32
        %gt3A_996 = vector.broadcast %gt3A_995 : f32 to vector<16xf32>
        %gt3A_997 = arith.cmpf ogt, %bitcast_convert_type3A_994, %gt3A_996 : vector<16xf32>
        %mul3A_998 = arith.constant 5.000000e-01 : f32
        %mul3A_999 = vector.broadcast %mul3A_998 : f32 to vector<16xf32>
        %mul3A_1000 = arith.mulf %bitcast_convert_type3A_994, %mul3A_999 : vector<16xf32>
        %select_n3A_1001 = arith.select %gt3A_997, %mul3A_1000, %bitcast_convert_type3A_994 : vector<16xi1>, vector<16xf32>
        %jit3A_1002 = arith.constant 1 : i32
        %jit3A_1003 = arith.constant 0 : i32
        %broadcast_in_dim3A_1004 = vector.broadcast %jit3A_1002 : i32 to vector<16xi32>
        %broadcast_in_dim3A_1005 = vector.broadcast %jit3A_1003 : i32 to vector<16xi32>
        %select_n3A_1006 = arith.select %gt3A_997, %broadcast_in_dim3A_1004, %broadcast_in_dim3A_1005 : vector<16xi1>, vector<16xi32>
        %add3A_1007 = arith.addi %sub3A_987, %select_n3A_1006 : vector<16xi32>
        %convert_element_type3A_1008 = arith.sitofp %add3A_1007 : vector<16xi32> to vector<16xf32>
        %sub3A_1009 = arith.constant 1.000000e+00 : f32
        %sub3A_1010 = vector.broadcast %sub3A_1009 : f32 to vector<16xf32>
        %sub3A_1011 = arith.subf %select_n3A_1001, %sub3A_1010 : vector<16xf32>
        %add3A_1012 = arith.constant 2.000000e+00 : f32
        %add3A_1013 = vector.broadcast %add3A_1012 : f32 to vector<16xf32>
        %add3A_1014 = arith.addf %add3A_1013, %sub3A_1011 : vector<16xf32>
        %div3A_1015 = arith.divf %sub3A_1011, %add3A_1014 : vector<16xf32>
        %mul3A_1016 = arith.mulf %div3A_1015, %div3A_1015 : vector<16xf32>
        %mul3A_1017 = arith.constant 0.222222224 : f32
        %mul3A_1018 = vector.broadcast %mul3A_1017 : f32 to vector<16xf32>
        %mul3A_1019 = arith.mulf %mul3A_1016, %mul3A_1018 : vector<16xf32>
        %add3A_1020 = arith.constant 0.285714298 : f32
        %add3A_1021 = vector.broadcast %add3A_1020 : f32 to vector<16xf32>
        %add3A_1022 = arith.addf %add3A_1021, %mul3A_1019 : vector<16xf32>
        %mul3A_1023 = arith.mulf %mul3A_1016, %add3A_1022 : vector<16xf32>
        %add3A_1024 = arith.constant 4.000000e-01 : f32
        %add3A_1025 = vector.broadcast %add3A_1024 : f32 to vector<16xf32>
        %add3A_1026 = arith.addf %add3A_1025, %mul3A_1023 : vector<16xf32>
        %mul3A_1027 = arith.mulf %mul3A_1016, %add3A_1026 : vector<16xf32>
        %add3A_1028 = arith.constant 0.666666686 : f32
        %add3A_1029 = vector.broadcast %add3A_1028 : f32 to vector<16xf32>
        %add3A_1030 = arith.addf %add3A_1029, %mul3A_1027 : vector<16xf32>
        %mul3A_1031 = arith.mulf %mul3A_1016, %add3A_1030 : vector<16xf32>
        %add3A_1032 = arith.constant 2.000000e+00 : f32
        %add3A_1033 = vector.broadcast %add3A_1032 : f32 to vector<16xf32>
        %add3A_1034 = arith.addf %add3A_1033, %mul3A_1031 : vector<16xf32>
        %mul3A_1035 = arith.mulf %div3A_1015, %add3A_1034 : vector<16xf32>
        %mul3A_1036 = arith.constant 0.693147182 : f32
        %mul3A_1037 = vector.broadcast %mul3A_1036 : f32 to vector<16xf32>
        %mul3A_1038 = arith.mulf %convert_element_type3A_1008, %mul3A_1037 : vector<16xf32>
        %add3A_1039 = arith.addf %mul3A_1035, %mul3A_1038 : vector<16xf32>
        %add3A_1040 = arith.addf %add3A_920, %add3A_1039 : vector<16xf32>
        scf.yield %add3A_1040 : vector<16xf32>
      }
      %scan3A_82 = arith.constant 64 : i32
      scf.yield %scan3A_81 : vector<16xf32>
    }
    %scan3A_55 = arith.constant 2 : i32
    %swap3A = arith.constant 0 : index
    %swap3A_56 = tpu.vector_load %arg10[%swap3A] {strides = array<i32>} : memref<16xf32, #tpu.memory_space<vmem>>, vector<16xf32>,
    %swap3A_57 = vector.shape_cast %swap3A_56 : vector<16xf32> to vector<16xf32>
    %swap3A_58 = vector.shape_cast %scan3A_54 : vector<16xf32> to vector<16xf32>
    tpu.vector_store %arg10[%swap3A], %swap3A_58 {strides = array<i32>} : memref<16xf32, #tpu.memory_space<vmem>>, vector<16xf32>,
    %mul3A_59 = arith.constant 16 : i32
    %mul3A_60 = arith.muli %add3A, %mul3A_59 : i32
    "tpu.region"() ({
      %run_scoped3A = tpu.sem_alloc : memref<!tpu.dma_semaphore, #tpu.memory_space<semaphore_mem>>
      %dma_start3A = tpu.memref_slice %arg6[%mul3A_60] : memref<512xf32, #tpu.memory_space<hbm>> -> memref<16xf32, #tpu.memory_space<hbm>>
      %dma_start3A_61 = tpu.memref_slice %arg6[%mul3A_60] : memref<512xf32, #tpu.memory_space<hbm>> -> memref<16xf32, #tpu.memory_space<hbm>>
      tpu.enqueue_dma source(%arg10 : memref<16xf32, #tpu.memory_space<vmem>>) target(%dma_start3A_61 : memref<16xf32, #tpu.memory_space<hbm>>) target_semaphore(%run_scoped3A : memref<!tpu.dma_semaphore, #tpu.memory_space<semaphore_mem>>)
      %dma_wait3A = tpu.memref_slice %arg6[%mul3A_60] : memref<512xf32, #tpu.memory_space<hbm>> -> memref<16xf32, #tpu.memory_space<hbm>>
      %dma_wait3A_62 = tpu.memref_slice %arg6[%mul3A_60] : memref<512xf32, #tpu.memory_space<hbm>> -> memref<16xf32, #tpu.memory_space<hbm>>
      tpu.wait_dma2 semaphore(%run_scoped3A : memref<!tpu.dma_semaphore, #tpu.memory_space<semaphore_mem>>) src(%arg10 : memref<16xf32, #tpu.memory_space<vmem>>) dst(%dma_wait3A_62 : memref<16xf32, #tpu.memory_space<hbm>>)
      tpu.yield
    }) : () -> ()
    return
  }
}

module attributes {stable_mosaic.version = 14 : i64} {
  func.func @_tc_body(%arg0: i32, %arg1: memref<3x512x1024xf32, #tpu.memory_space<vmem>>, %arg2: memref<3x512x1024xf32, #tpu.memory_space<vmem>>, %arg3: memref<8x1x128xf32, #tpu.memory_space<vmem>>, %arg4: memref<8x1x128xf32, #tpu.memory_space<vmem>>, %arg5: memref<8x1x128xf32, #tpu.memory_space<vmem>>) attributes {dimension_semantics = [#tpu.dimension_semantics<arbitrary>], iteration_bounds = array<i64: 7>, scalar_prefetch = 0 : i64, scratch_operands = 0 : i64, tpu.core_type = #tpu.core_type<tc>, window_params = [{transform_indices = @transform_0, window_bounds = array<i64: 3, 512, 1024>}, {transform_indices = @transform_1, window_bounds = array<i64: 3, 512, 1024>}, {transform_indices = @transform_2, window_bounds = array<i64: 8, 1, 128>}, {transform_indices = @transform_3, window_bounds = array<i64: 8, 1, 128>}, {transform_indices = @transform_4, window_bounds = array<i64: 8, 1, 128>}]} {
    %get3A = arith.constant 0 : index
    %get3A_0 = arith.constant 0 : index
    %get3A_1 = arith.constant 0 : index
    %get3A_2 = vector.load %arg1[%get3A, %get3A_0, %get3A_1] : memref<3x512x1024xf32, #tpu.memory_space<vmem>>, vector<3x512x1024xf32>
    %get3A_3 = arith.constant 0 : index
    %get3A_4 = arith.constant 0 : index
    %get3A_5 = arith.constant 0 : index
    %get3A_6 = vector.load %arg2[%get3A_3, %get3A_4, %get3A_5] : memref<3x512x1024xf32, #tpu.memory_space<vmem>>, vector<3x512x1024xf32>
    %sub3A = arith.subf %get3A_2, %get3A_6 : vector<3x512x1024xf32>
    %mul3A = arith.mulf %sub3A, %sub3A : vector<3x512x1024xf32>
    %slice3A = vector.extract_strided_slice %mul3A {offsets = [0, 0, 0], sizes = [1, 512, 1024], strides = [1, 1, 1]} : vector<3x512x1024xf32> to vector<1x512x1024xf32>
    %squeeze3A = vector.shape_cast %slice3A : vector<1x512x1024xf32> to vector<512x1024xf32>
    %slice3A_7 = vector.extract_strided_slice %mul3A {offsets = [1, 0, 0], sizes = [1, 512, 1024], strides = [1, 1, 1]} : vector<3x512x1024xf32> to vector<1x512x1024xf32>
    %squeeze3A_8 = vector.shape_cast %slice3A_7 : vector<1x512x1024xf32> to vector<512x1024xf32>
    %add3A = arith.addf %squeeze3A, %squeeze3A_8 : vector<512x1024xf32>
    %slice3A_9 = vector.extract_strided_slice %mul3A {offsets = [2, 0, 0], sizes = [1, 512, 1024], strides = [1, 1, 1]} : vector<3x512x1024xf32> to vector<1x512x1024xf32>
    %squeeze3A_10 = vector.shape_cast %slice3A_9 : vector<1x512x1024xf32> to vector<512x1024xf32>
    %add3A_11 = arith.addf %add3A, %squeeze3A_10 : vector<512x1024xf32>
    %get3A_12 = arith.constant 0 : index
    %get3A_13 = arith.constant 0 : index
    %get3A_14 = arith.constant 0 : index
    %get3A_15 = vector.load %arg3[%get3A_12, %get3A_13, %get3A_14] : memref<8x1x128xf32, #tpu.memory_space<vmem>>, vector<1x1x1xf32>
    %get3A_16 = vector.extract %get3A_15[0, 0, 0] : f32 from vector<1x1x1xf32>
    %get3A_17 = arith.constant 0 : index
    %get3A_18 = arith.constant 0 : index
    %get3A_19 = arith.constant 0 : index
    %get3A_20 = vector.load %arg4[%get3A_17, %get3A_18, %get3A_19] : memref<8x1x128xf32, #tpu.memory_space<vmem>>, vector<1x1x1xf32>
    %get3A_21 = vector.extract %get3A_20[0, 0, 0] : f32 from vector<1x1x1xf32>
    %slice3A_22 = vector.extract_strided_slice %add3A_11 {offsets = [0, 0], sizes = [64, 1024], strides = [1, 1]} : vector<512x1024xf32> to vector<64x1024xf32>
    %mul3A_23 = arith.constant -32.9115257 : f32
    %mul3A_24 = vector.broadcast %mul3A_23 : f32 to vector<64x1024xf32>
    %mul3A_25 = arith.mulf %slice3A_22, %mul3A_24 : vector<64x1024xf32>
    %mul3A_26 = vector.broadcast %get3A_21 : f32 to vector<64x1024xf32>
    %mul3A_27 = arith.mulf %mul3A_25, %mul3A_26 : vector<64x1024xf32>
    %exp3A = math.exp %mul3A_27 : vector<64x1024xf32>
    %mul3A_28 = vector.broadcast %get3A_16 : f32 to vector<64x1024xf32>
    %mul3A_29 = arith.mulf %mul3A_28, %exp3A : vector<64x1024xf32>
    %sub3A_30 = arith.constant 1.000000e+00 : f32
    %sub3A_31 = arith.subf %sub3A_30, %get3A_16 : f32
    %add3A_32 = vector.broadcast %sub3A_31 : f32 to vector<64x1024xf32>
    %add3A_33 = arith.addf %mul3A_29, %add3A_32 : vector<64x1024xf32>
    %lt3A = arith.constant 0.030384494 : f32
    %lt3A_34 = vector.broadcast %lt3A : f32 to vector<64x1024xf32>
    %lt3A_35 = arith.cmpf olt, %slice3A_22, %lt3A_34 : vector<64x1024xf32>
    %log3A = math.log %add3A_33 : vector<64x1024xf32>
    %jit3A = arith.constant 0.000000e+00 : f32
    %broadcast_in_dim3A = vector.broadcast %jit3A : f32 to vector<64x1024xf32>
    %select_n3A = arith.select %lt3A_35, %log3A, %broadcast_in_dim3A : vector<64x1024xi1>, vector<64x1024xf32>
    %reduce_sum3A = vector.shape_cast %select_n3A : vector<64x1024xf32> to vector<1x64x1024xf32>
    %reduce_sum3A_36 = arith.constant dense<0.000000e+00> : vector<1xf32>
    %reduce_sum3A_37 = vector.multi_reduction <add>, %reduce_sum3A, %reduce_sum3A_36 [1, 2] : vector<1x64x1024xf32> to vector<1xf32>
    %reduce_sum3A_38 = vector.shape_cast %reduce_sum3A_37 : vector<1xf32> to vector<1x1x1xf32>
    %reduce_sum3A_39 = vector.extract %reduce_sum3A_38[0, 0, 0] : f32 from vector<1x1x1xf32>
    %broadcast_in_dim3A_40 = vector.broadcast %reduce_sum3A_39 : f32 to vector<1x1xf32>
    %broadcast_in_dim3A_41 = arith.constant 1.000000e+00 : f32
    %broadcast_in_dim3A_42 = vector.broadcast %broadcast_in_dim3A_41 : f32 to vector<1x128xf32>
    %mul3A_43 = vector.broadcast %broadcast_in_dim3A_40 : vector<1x1xf32> to vector<1x128xf32>
    %mul3A_44 = arith.mulf %mul3A_43, %broadcast_in_dim3A_42 : vector<1x128xf32>
    %swap3A = arith.constant 0 : index
    %swap3A_45 = arith.constant 0 : index
    %swap3A_46 = arith.constant 0 : index
    %swap3A_47 = vector.load %arg5[%swap3A, %swap3A_45, %swap3A_46] : memref<8x1x128xf32, #tpu.memory_space<vmem>>, vector<1x1x128xf32>
    %swap3A_48 = vector.shape_cast %swap3A_47 : vector<1x1x128xf32> to vector<1x128xf32>
    %swap3A_49 = vector.shape_cast %mul3A_44 : vector<1x128xf32> to vector<1x1x128xf32>
    tpu.vector_store %arg5[%swap3A, %swap3A_45, %swap3A_46], %swap3A_49 {strides = array<i32>} : memref<8x1x128xf32, #tpu.memory_space<vmem>>, vector<1x1x128xf32>,
    %get3A_50 = arith.constant 1 : index
    %get3A_51 = arith.constant 0 : index
    %get3A_52 = arith.constant 0 : index
    %get3A_53 = vector.load %arg3[%get3A_50, %get3A_51, %get3A_52] : memref<8x1x128xf32, #tpu.memory_space<vmem>>, vector<1x1x1xf32>
    %get3A_54 = vector.extract %get3A_53[0, 0, 0] : f32 from vector<1x1x1xf32>
    %get3A_55 = arith.constant 1 : index
    %get3A_56 = arith.constant 0 : index
    %get3A_57 = arith.constant 0 : index
    %get3A_58 = vector.load %arg4[%get3A_55, %get3A_56, %get3A_57] : memref<8x1x128xf32, #tpu.memory_space<vmem>>, vector<1x1x1xf32>
    %get3A_59 = vector.extract %get3A_58[0, 0, 0] : f32 from vector<1x1x1xf32>
    %slice3A_60 = vector.extract_strided_slice %add3A_11 {offsets = [64, 0], sizes = [64, 1024], strides = [1, 1]} : vector<512x1024xf32> to vector<64x1024xf32>
    %mul3A_61 = arith.constant -32.9115257 : f32
    %mul3A_62 = vector.broadcast %mul3A_61 : f32 to vector<64x1024xf32>
    %mul3A_63 = arith.mulf %slice3A_60, %mul3A_62 : vector<64x1024xf32>
    %mul3A_64 = vector.broadcast %get3A_59 : f32 to vector<64x1024xf32>
    %mul3A_65 = arith.mulf %mul3A_63, %mul3A_64 : vector<64x1024xf32>
    %exp3A_66 = math.exp %mul3A_65 : vector<64x1024xf32>
    %mul3A_67 = vector.broadcast %get3A_54 : f32 to vector<64x1024xf32>
    %mul3A_68 = arith.mulf %mul3A_67, %exp3A_66 : vector<64x1024xf32>
    %sub3A_69 = arith.constant 1.000000e+00 : f32
    %sub3A_70 = arith.subf %sub3A_69, %get3A_54 : f32
    %add3A_71 = vector.broadcast %sub3A_70 : f32 to vector<64x1024xf32>
    %add3A_72 = arith.addf %mul3A_68, %add3A_71 : vector<64x1024xf32>
    %lt3A_73 = arith.constant 0.030384494 : f32
    %lt3A_74 = vector.broadcast %lt3A_73 : f32 to vector<64x1024xf32>
    %lt3A_75 = arith.cmpf olt, %slice3A_60, %lt3A_74 : vector<64x1024xf32>
    %log3A_76 = math.log %add3A_72 : vector<64x1024xf32>
    %jit3A_77 = arith.constant 0.000000e+00 : f32
    %broadcast_in_dim3A_78 = vector.broadcast %jit3A_77 : f32 to vector<64x1024xf32>
    %select_n3A_79 = arith.select %lt3A_75, %log3A_76, %broadcast_in_dim3A_78 : vector<64x1024xi1>, vector<64x1024xf32>
    %reduce_sum3A_80 = vector.shape_cast %select_n3A_79 : vector<64x1024xf32> to vector<1x64x1024xf32>
    %reduce_sum3A_81 = arith.constant dense<0.000000e+00> : vector<1xf32>
    %reduce_sum3A_82 = vector.multi_reduction <add>, %reduce_sum3A_80, %reduce_sum3A_81 [1, 2] : vector<1x64x1024xf32> to vector<1xf32>
    %reduce_sum3A_83 = vector.shape_cast %reduce_sum3A_82 : vector<1xf32> to vector<1x1x1xf32>
    %reduce_sum3A_84 = vector.extract %reduce_sum3A_83[0, 0, 0] : f32 from vector<1x1x1xf32>
    %broadcast_in_dim3A_85 = vector.broadcast %reduce_sum3A_84 : f32 to vector<1x1xf32>
    %broadcast_in_dim3A_86 = arith.constant 1.000000e+00 : f32
    %broadcast_in_dim3A_87 = vector.broadcast %broadcast_in_dim3A_86 : f32 to vector<1x128xf32>
    %mul3A_88 = vector.broadcast %broadcast_in_dim3A_85 : vector<1x1xf32> to vector<1x128xf32>
    %mul3A_89 = arith.mulf %mul3A_88, %broadcast_in_dim3A_87 : vector<1x128xf32>
    %swap3A_90 = arith.constant 1 : index
    %swap3A_91 = arith.constant 0 : index
    %swap3A_92 = arith.constant 0 : index
    %swap3A_93 = vector.load %arg5[%swap3A_90, %swap3A_91, %swap3A_92] : memref<8x1x128xf32, #tpu.memory_space<vmem>>, vector<1x1x128xf32>
    %swap3A_94 = vector.shape_cast %swap3A_93 : vector<1x1x128xf32> to vector<1x128xf32>
    %swap3A_95 = vector.shape_cast %mul3A_89 : vector<1x128xf32> to vector<1x1x128xf32>
    tpu.vector_store %arg5[%swap3A_90, %swap3A_91, %swap3A_92], %swap3A_95 {strides = array<i32>} : memref<8x1x128xf32, #tpu.memory_space<vmem>>, vector<1x1x128xf32>,
    %get3A_96 = arith.constant 2 : index
    %get3A_97 = arith.constant 0 : index
    %get3A_98 = arith.constant 0 : index
    %get3A_99 = vector.load %arg3[%get3A_96, %get3A_97, %get3A_98] : memref<8x1x128xf32, #tpu.memory_space<vmem>>, vector<1x1x1xf32>
    %get3A_100 = vector.extract %get3A_99[0, 0, 0] : f32 from vector<1x1x1xf32>
    %get3A_101 = arith.constant 2 : index
    %get3A_102 = arith.constant 0 : index
    %get3A_103 = arith.constant 0 : index
    %get3A_104 = vector.load %arg4[%get3A_101, %get3A_102, %get3A_103] : memref<8x1x128xf32, #tpu.memory_space<vmem>>, vector<1x1x1xf32>
    %get3A_105 = vector.extract %get3A_104[0, 0, 0] : f32 from vector<1x1x1xf32>
    %slice3A_106 = vector.extract_strided_slice %add3A_11 {offsets = [128, 0], sizes = [64, 1024], strides = [1, 1]} : vector<512x1024xf32> to vector<64x1024xf32>
    %mul3A_107 = arith.constant -32.9115257 : f32
    %mul3A_108 = vector.broadcast %mul3A_107 : f32 to vector<64x1024xf32>
    %mul3A_109 = arith.mulf %slice3A_106, %mul3A_108 : vector<64x1024xf32>
    %mul3A_110 = vector.broadcast %get3A_105 : f32 to vector<64x1024xf32>
    %mul3A_111 = arith.mulf %mul3A_109, %mul3A_110 : vector<64x1024xf32>
    %exp3A_112 = math.exp %mul3A_111 : vector<64x1024xf32>
    %mul3A_113 = vector.broadcast %get3A_100 : f32 to vector<64x1024xf32>
    %mul3A_114 = arith.mulf %mul3A_113, %exp3A_112 : vector<64x1024xf32>
    %sub3A_115 = arith.constant 1.000000e+00 : f32
    %sub3A_116 = arith.subf %sub3A_115, %get3A_100 : f32
    %add3A_117 = vector.broadcast %sub3A_116 : f32 to vector<64x1024xf32>
    %add3A_118 = arith.addf %mul3A_114, %add3A_117 : vector<64x1024xf32>
    %lt3A_119 = arith.constant 0.030384494 : f32
    %lt3A_120 = vector.broadcast %lt3A_119 : f32 to vector<64x1024xf32>
    %lt3A_121 = arith.cmpf olt, %slice3A_106, %lt3A_120 : vector<64x1024xf32>
    %log3A_122 = math.log %add3A_118 : vector<64x1024xf32>
    %jit3A_123 = arith.constant 0.000000e+00 : f32
    %broadcast_in_dim3A_124 = vector.broadcast %jit3A_123 : f32 to vector<64x1024xf32>
    %select_n3A_125 = arith.select %lt3A_121, %log3A_122, %broadcast_in_dim3A_124 : vector<64x1024xi1>, vector<64x1024xf32>
    %reduce_sum3A_126 = vector.shape_cast %select_n3A_125 : vector<64x1024xf32> to vector<1x64x1024xf32>
    %reduce_sum3A_127 = arith.constant dense<0.000000e+00> : vector<1xf32>
    %reduce_sum3A_128 = vector.multi_reduction <add>, %reduce_sum3A_126, %reduce_sum3A_127 [1, 2] : vector<1x64x1024xf32> to vector<1xf32>
    %reduce_sum3A_129 = vector.shape_cast %reduce_sum3A_128 : vector<1xf32> to vector<1x1x1xf32>
    %reduce_sum3A_130 = vector.extract %reduce_sum3A_129[0, 0, 0] : f32 from vector<1x1x1xf32>
    %broadcast_in_dim3A_131 = vector.broadcast %reduce_sum3A_130 : f32 to vector<1x1xf32>
    %broadcast_in_dim3A_132 = arith.constant 1.000000e+00 : f32
    %broadcast_in_dim3A_133 = vector.broadcast %broadcast_in_dim3A_132 : f32 to vector<1x128xf32>
    %mul3A_134 = vector.broadcast %broadcast_in_dim3A_131 : vector<1x1xf32> to vector<1x128xf32>
    %mul3A_135 = arith.mulf %mul3A_134, %broadcast_in_dim3A_133 : vector<1x128xf32>
    %swap3A_136 = arith.constant 2 : index
    %swap3A_137 = arith.constant 0 : index
    %swap3A_138 = arith.constant 0 : index
    %swap3A_139 = vector.load %arg5[%swap3A_136, %swap3A_137, %swap3A_138] : memref<8x1x128xf32, #tpu.memory_space<vmem>>, vector<1x1x128xf32>
    %swap3A_140 = vector.shape_cast %swap3A_139 : vector<1x1x128xf32> to vector<1x128xf32>
    %swap3A_141 = vector.shape_cast %mul3A_135 : vector<1x128xf32> to vector<1x1x128xf32>
    tpu.vector_store %arg5[%swap3A_136, %swap3A_137, %swap3A_138], %swap3A_141 {strides = array<i32>} : memref<8x1x128xf32, #tpu.memory_space<vmem>>, vector<1x1x128xf32>,
    %get3A_142 = arith.constant 3 : index
    %get3A_143 = arith.constant 0 : index
    %get3A_144 = arith.constant 0 : index
    %get3A_145 = vector.load %arg3[%get3A_142, %get3A_143, %get3A_144] : memref<8x1x128xf32, #tpu.memory_space<vmem>>, vector<1x1x1xf32>
    %get3A_146 = vector.extract %get3A_145[0, 0, 0] : f32 from vector<1x1x1xf32>
    %get3A_147 = arith.constant 3 : index
    %get3A_148 = arith.constant 0 : index
    %get3A_149 = arith.constant 0 : index
    %get3A_150 = vector.load %arg4[%get3A_147, %get3A_148, %get3A_149] : memref<8x1x128xf32, #tpu.memory_space<vmem>>, vector<1x1x1xf32>
    %get3A_151 = vector.extract %get3A_150[0, 0, 0] : f32 from vector<1x1x1xf32>
    %slice3A_152 = vector.extract_strided_slice %add3A_11 {offsets = [192, 0], sizes = [64, 1024], strides = [1, 1]} : vector<512x1024xf32> to vector<64x1024xf32>
    %mul3A_153 = arith.constant -32.9115257 : f32
    %mul3A_154 = vector.broadcast %mul3A_153 : f32 to vector<64x1024xf32>
    %mul3A_155 = arith.mulf %slice3A_152, %mul3A_154 : vector<64x1024xf32>
    %mul3A_156 = vector.broadcast %get3A_151 : f32 to vector<64x1024xf32>
    %mul3A_157 = arith.mulf %mul3A_155, %mul3A_156 : vector<64x1024xf32>
    %exp3A_158 = math.exp %mul3A_157 : vector<64x1024xf32>
    %mul3A_159 = vector.broadcast %get3A_146 : f32 to vector<64x1024xf32>
    %mul3A_160 = arith.mulf %mul3A_159, %exp3A_158 : vector<64x1024xf32>
    %sub3A_161 = arith.constant 1.000000e+00 : f32
    %sub3A_162 = arith.subf %sub3A_161, %get3A_146 : f32
    %add3A_163 = vector.broadcast %sub3A_162 : f32 to vector<64x1024xf32>
    %add3A_164 = arith.addf %mul3A_160, %add3A_163 : vector<64x1024xf32>
    %lt3A_165 = arith.constant 0.030384494 : f32
    %lt3A_166 = vector.broadcast %lt3A_165 : f32 to vector<64x1024xf32>
    %lt3A_167 = arith.cmpf olt, %slice3A_152, %lt3A_166 : vector<64x1024xf32>
    %log3A_168 = math.log %add3A_164 : vector<64x1024xf32>
    %jit3A_169 = arith.constant 0.000000e+00 : f32
    %broadcast_in_dim3A_170 = vector.broadcast %jit3A_169 : f32 to vector<64x1024xf32>
    %select_n3A_171 = arith.select %lt3A_167, %log3A_168, %broadcast_in_dim3A_170 : vector<64x1024xi1>, vector<64x1024xf32>
    %reduce_sum3A_172 = vector.shape_cast %select_n3A_171 : vector<64x1024xf32> to vector<1x64x1024xf32>
    %reduce_sum3A_173 = arith.constant dense<0.000000e+00> : vector<1xf32>
    %reduce_sum3A_174 = vector.multi_reduction <add>, %reduce_sum3A_172, %reduce_sum3A_173 [1, 2] : vector<1x64x1024xf32> to vector<1xf32>
    %reduce_sum3A_175 = vector.shape_cast %reduce_sum3A_174 : vector<1xf32> to vector<1x1x1xf32>
    %reduce_sum3A_176 = vector.extract %reduce_sum3A_175[0, 0, 0] : f32 from vector<1x1x1xf32>
    %broadcast_in_dim3A_177 = vector.broadcast %reduce_sum3A_176 : f32 to vector<1x1xf32>
    %broadcast_in_dim3A_178 = arith.constant 1.000000e+00 : f32
    %broadcast_in_dim3A_179 = vector.broadcast %broadcast_in_dim3A_178 : f32 to vector<1x128xf32>
    %mul3A_180 = vector.broadcast %broadcast_in_dim3A_177 : vector<1x1xf32> to vector<1x128xf32>
    %mul3A_181 = arith.mulf %mul3A_180, %broadcast_in_dim3A_179 : vector<1x128xf32>
    %swap3A_182 = arith.constant 3 : index
    %swap3A_183 = arith.constant 0 : index
    %swap3A_184 = arith.constant 0 : index
    %swap3A_185 = vector.load %arg5[%swap3A_182, %swap3A_183, %swap3A_184] : memref<8x1x128xf32, #tpu.memory_space<vmem>>, vector<1x1x128xf32>
    %swap3A_186 = vector.shape_cast %swap3A_185 : vector<1x1x128xf32> to vector<1x128xf32>
    %swap3A_187 = vector.shape_cast %mul3A_181 : vector<1x128xf32> to vector<1x1x128xf32>
    tpu.vector_store %arg5[%swap3A_182, %swap3A_183, %swap3A_184], %swap3A_187 {strides = array<i32>} : memref<8x1x128xf32, #tpu.memory_space<vmem>>, vector<1x1x128xf32>,
    %get3A_188 = arith.constant 4 : index
    %get3A_189 = arith.constant 0 : index
    %get3A_190 = arith.constant 0 : index
    %get3A_191 = vector.load %arg3[%get3A_188, %get3A_189, %get3A_190] : memref<8x1x128xf32, #tpu.memory_space<vmem>>, vector<1x1x1xf32>
    %get3A_192 = vector.extract %get3A_191[0, 0, 0] : f32 from vector<1x1x1xf32>
    %get3A_193 = arith.constant 4 : index
    %get3A_194 = arith.constant 0 : index
    %get3A_195 = arith.constant 0 : index
    %get3A_196 = vector.load %arg4[%get3A_193, %get3A_194, %get3A_195] : memref<8x1x128xf32, #tpu.memory_space<vmem>>, vector<1x1x1xf32>
    %get3A_197 = vector.extract %get3A_196[0, 0, 0] : f32 from vector<1x1x1xf32>
    %slice3A_198 = vector.extract_strided_slice %add3A_11 {offsets = [256, 0], sizes = [64, 1024], strides = [1, 1]} : vector<512x1024xf32> to vector<64x1024xf32>
    %mul3A_199 = arith.constant -32.9115257 : f32
    %mul3A_200 = vector.broadcast %mul3A_199 : f32 to vector<64x1024xf32>
    %mul3A_201 = arith.mulf %slice3A_198, %mul3A_200 : vector<64x1024xf32>
    %mul3A_202 = vector.broadcast %get3A_197 : f32 to vector<64x1024xf32>
    %mul3A_203 = arith.mulf %mul3A_201, %mul3A_202 : vector<64x1024xf32>
    %exp3A_204 = math.exp %mul3A_203 : vector<64x1024xf32>
    %mul3A_205 = vector.broadcast %get3A_192 : f32 to vector<64x1024xf32>
    %mul3A_206 = arith.mulf %mul3A_205, %exp3A_204 : vector<64x1024xf32>
    %sub3A_207 = arith.constant 1.000000e+00 : f32
    %sub3A_208 = arith.subf %sub3A_207, %get3A_192 : f32
    %add3A_209 = vector.broadcast %sub3A_208 : f32 to vector<64x1024xf32>
    %add3A_210 = arith.addf %mul3A_206, %add3A_209 : vector<64x1024xf32>
    %lt3A_211 = arith.constant 0.030384494 : f32
    %lt3A_212 = vector.broadcast %lt3A_211 : f32 to vector<64x1024xf32>
    %lt3A_213 = arith.cmpf olt, %slice3A_198, %lt3A_212 : vector<64x1024xf32>
    %log3A_214 = math.log %add3A_210 : vector<64x1024xf32>
    %jit3A_215 = arith.constant 0.000000e+00 : f32
    %broadcast_in_dim3A_216 = vector.broadcast %jit3A_215 : f32 to vector<64x1024xf32>
    %select_n3A_217 = arith.select %lt3A_213, %log3A_214, %broadcast_in_dim3A_216 : vector<64x1024xi1>, vector<64x1024xf32>
    %reduce_sum3A_218 = vector.shape_cast %select_n3A_217 : vector<64x1024xf32> to vector<1x64x1024xf32>
    %reduce_sum3A_219 = arith.constant dense<0.000000e+00> : vector<1xf32>
    %reduce_sum3A_220 = vector.multi_reduction <add>, %reduce_sum3A_218, %reduce_sum3A_219 [1, 2] : vector<1x64x1024xf32> to vector<1xf32>
    %reduce_sum3A_221 = vector.shape_cast %reduce_sum3A_220 : vector<1xf32> to vector<1x1x1xf32>
    %reduce_sum3A_222 = vector.extract %reduce_sum3A_221[0, 0, 0] : f32 from vector<1x1x1xf32>
    %broadcast_in_dim3A_223 = vector.broadcast %reduce_sum3A_222 : f32 to vector<1x1xf32>
    %broadcast_in_dim3A_224 = arith.constant 1.000000e+00 : f32
    %broadcast_in_dim3A_225 = vector.broadcast %broadcast_in_dim3A_224 : f32 to vector<1x128xf32>
    %mul3A_226 = vector.broadcast %broadcast_in_dim3A_223 : vector<1x1xf32> to vector<1x128xf32>
    %mul3A_227 = arith.mulf %mul3A_226, %broadcast_in_dim3A_225 : vector<1x128xf32>
    %swap3A_228 = arith.constant 4 : index
    %swap3A_229 = arith.constant 0 : index
    %swap3A_230 = arith.constant 0 : index
    %swap3A_231 = vector.load %arg5[%swap3A_228, %swap3A_229, %swap3A_230] : memref<8x1x128xf32, #tpu.memory_space<vmem>>, vector<1x1x128xf32>
    %swap3A_232 = vector.shape_cast %swap3A_231 : vector<1x1x128xf32> to vector<1x128xf32>
    %swap3A_233 = vector.shape_cast %mul3A_227 : vector<1x128xf32> to vector<1x1x128xf32>
    tpu.vector_store %arg5[%swap3A_228, %swap3A_229, %swap3A_230], %swap3A_233 {strides = array<i32>} : memref<8x1x128xf32, #tpu.memory_space<vmem>>, vector<1x1x128xf32>,
    %get3A_234 = arith.constant 5 : index
    %get3A_235 = arith.constant 0 : index
    %get3A_236 = arith.constant 0 : index
    %get3A_237 = vector.load %arg3[%get3A_234, %get3A_235, %get3A_236] : memref<8x1x128xf32, #tpu.memory_space<vmem>>, vector<1x1x1xf32>
    %get3A_238 = vector.extract %get3A_237[0, 0, 0] : f32 from vector<1x1x1xf32>
    %get3A_239 = arith.constant 5 : index
    %get3A_240 = arith.constant 0 : index
    %get3A_241 = arith.constant 0 : index
    %get3A_242 = vector.load %arg4[%get3A_239, %get3A_240, %get3A_241] : memref<8x1x128xf32, #tpu.memory_space<vmem>>, vector<1x1x1xf32>
    %get3A_243 = vector.extract %get3A_242[0, 0, 0] : f32 from vector<1x1x1xf32>
    %slice3A_244 = vector.extract_strided_slice %add3A_11 {offsets = [320, 0], sizes = [64, 1024], strides = [1, 1]} : vector<512x1024xf32> to vector<64x1024xf32>
    %mul3A_245 = arith.constant -32.9115257 : f32
    %mul3A_246 = vector.broadcast %mul3A_245 : f32 to vector<64x1024xf32>
    %mul3A_247 = arith.mulf %slice3A_244, %mul3A_246 : vector<64x1024xf32>
    %mul3A_248 = vector.broadcast %get3A_243 : f32 to vector<64x1024xf32>
    %mul3A_249 = arith.mulf %mul3A_247, %mul3A_248 : vector<64x1024xf32>
    %exp3A_250 = math.exp %mul3A_249 : vector<64x1024xf32>
    %mul3A_251 = vector.broadcast %get3A_238 : f32 to vector<64x1024xf32>
    %mul3A_252 = arith.mulf %mul3A_251, %exp3A_250 : vector<64x1024xf32>
    %sub3A_253 = arith.constant 1.000000e+00 : f32
    %sub3A_254 = arith.subf %sub3A_253, %get3A_238 : f32
    %add3A_255 = vector.broadcast %sub3A_254 : f32 to vector<64x1024xf32>
    %add3A_256 = arith.addf %mul3A_252, %add3A_255 : vector<64x1024xf32>
    %lt3A_257 = arith.constant 0.030384494 : f32
    %lt3A_258 = vector.broadcast %lt3A_257 : f32 to vector<64x1024xf32>
    %lt3A_259 = arith.cmpf olt, %slice3A_244, %lt3A_258 : vector<64x1024xf32>
    %log3A_260 = math.log %add3A_256 : vector<64x1024xf32>
    %jit3A_261 = arith.constant 0.000000e+00 : f32
    %broadcast_in_dim3A_262 = vector.broadcast %jit3A_261 : f32 to vector<64x1024xf32>
    %select_n3A_263 = arith.select %lt3A_259, %log3A_260, %broadcast_in_dim3A_262 : vector<64x1024xi1>, vector<64x1024xf32>
    %reduce_sum3A_264 = vector.shape_cast %select_n3A_263 : vector<64x1024xf32> to vector<1x64x1024xf32>
    %reduce_sum3A_265 = arith.constant dense<0.000000e+00> : vector<1xf32>
    %reduce_sum3A_266 = vector.multi_reduction <add>, %reduce_sum3A_264, %reduce_sum3A_265 [1, 2] : vector<1x64x1024xf32> to vector<1xf32>
    %reduce_sum3A_267 = vector.shape_cast %reduce_sum3A_266 : vector<1xf32> to vector<1x1x1xf32>
    %reduce_sum3A_268 = vector.extract %reduce_sum3A_267[0, 0, 0] : f32 from vector<1x1x1xf32>
    %broadcast_in_dim3A_269 = vector.broadcast %reduce_sum3A_268 : f32 to vector<1x1xf32>
    %broadcast_in_dim3A_270 = arith.constant 1.000000e+00 : f32
    %broadcast_in_dim3A_271 = vector.broadcast %broadcast_in_dim3A_270 : f32 to vector<1x128xf32>
    %mul3A_272 = vector.broadcast %broadcast_in_dim3A_269 : vector<1x1xf32> to vector<1x128xf32>
    %mul3A_273 = arith.mulf %mul3A_272, %broadcast_in_dim3A_271 : vector<1x128xf32>
    %swap3A_274 = arith.constant 5 : index
    %swap3A_275 = arith.constant 0 : index
    %swap3A_276 = arith.constant 0 : index
    %swap3A_277 = vector.load %arg5[%swap3A_274, %swap3A_275, %swap3A_276] : memref<8x1x128xf32, #tpu.memory_space<vmem>>, vector<1x1x128xf32>
    %swap3A_278 = vector.shape_cast %swap3A_277 : vector<1x1x128xf32> to vector<1x128xf32>
    %swap3A_279 = vector.shape_cast %mul3A_273 : vector<1x128xf32> to vector<1x1x128xf32>
    tpu.vector_store %arg5[%swap3A_274, %swap3A_275, %swap3A_276], %swap3A_279 {strides = array<i32>} : memref<8x1x128xf32, #tpu.memory_space<vmem>>, vector<1x1x128xf32>,
    %get3A_280 = arith.constant 6 : index
    %get3A_281 = arith.constant 0 : index
    %get3A_282 = arith.constant 0 : index
    %get3A_283 = vector.load %arg3[%get3A_280, %get3A_281, %get3A_282] : memref<8x1x128xf32, #tpu.memory_space<vmem>>, vector<1x1x1xf32>
    %get3A_284 = vector.extract %get3A_283[0, 0, 0] : f32 from vector<1x1x1xf32>
    %get3A_285 = arith.constant 6 : index
    %get3A_286 = arith.constant 0 : index
    %get3A_287 = arith.constant 0 : index
    %get3A_288 = vector.load %arg4[%get3A_285, %get3A_286, %get3A_287] : memref<8x1x128xf32, #tpu.memory_space<vmem>>, vector<1x1x1xf32>
    %get3A_289 = vector.extract %get3A_288[0, 0, 0] : f32 from vector<1x1x1xf32>
    %slice3A_290 = vector.extract_strided_slice %add3A_11 {offsets = [384, 0], sizes = [64, 1024], strides = [1, 1]} : vector<512x1024xf32> to vector<64x1024xf32>
    %mul3A_291 = arith.constant -32.9115257 : f32
    %mul3A_292 = vector.broadcast %mul3A_291 : f32 to vector<64x1024xf32>
    %mul3A_293 = arith.mulf %slice3A_290, %mul3A_292 : vector<64x1024xf32>
    %mul3A_294 = vector.broadcast %get3A_289 : f32 to vector<64x1024xf32>
    %mul3A_295 = arith.mulf %mul3A_293, %mul3A_294 : vector<64x1024xf32>
    %exp3A_296 = math.exp %mul3A_295 : vector<64x1024xf32>
    %mul3A_297 = vector.broadcast %get3A_284 : f32 to vector<64x1024xf32>
    %mul3A_298 = arith.mulf %mul3A_297, %exp3A_296 : vector<64x1024xf32>
    %sub3A_299 = arith.constant 1.000000e+00 : f32
    %sub3A_300 = arith.subf %sub3A_299, %get3A_284 : f32
    %add3A_301 = vector.broadcast %sub3A_300 : f32 to vector<64x1024xf32>
    %add3A_302 = arith.addf %mul3A_298, %add3A_301 : vector<64x1024xf32>
    %lt3A_303 = arith.constant 0.030384494 : f32
    %lt3A_304 = vector.broadcast %lt3A_303 : f32 to vector<64x1024xf32>
    %lt3A_305 = arith.cmpf olt, %slice3A_290, %lt3A_304 : vector<64x1024xf32>
    %log3A_306 = math.log %add3A_302 : vector<64x1024xf32>
    %jit3A_307 = arith.constant 0.000000e+00 : f32
    %broadcast_in_dim3A_308 = vector.broadcast %jit3A_307 : f32 to vector<64x1024xf32>
    %select_n3A_309 = arith.select %lt3A_305, %log3A_306, %broadcast_in_dim3A_308 : vector<64x1024xi1>, vector<64x1024xf32>
    %reduce_sum3A_310 = vector.shape_cast %select_n3A_309 : vector<64x1024xf32> to vector<1x64x1024xf32>
    %reduce_sum3A_311 = arith.constant dense<0.000000e+00> : vector<1xf32>
    %reduce_sum3A_312 = vector.multi_reduction <add>, %reduce_sum3A_310, %reduce_sum3A_311 [1, 2] : vector<1x64x1024xf32> to vector<1xf32>
    %reduce_sum3A_313 = vector.shape_cast %reduce_sum3A_312 : vector<1xf32> to vector<1x1x1xf32>
    %reduce_sum3A_314 = vector.extract %reduce_sum3A_313[0, 0, 0] : f32 from vector<1x1x1xf32>
    %broadcast_in_dim3A_315 = vector.broadcast %reduce_sum3A_314 : f32 to vector<1x1xf32>
    %broadcast_in_dim3A_316 = arith.constant 1.000000e+00 : f32
    %broadcast_in_dim3A_317 = vector.broadcast %broadcast_in_dim3A_316 : f32 to vector<1x128xf32>
    %mul3A_318 = vector.broadcast %broadcast_in_dim3A_315 : vector<1x1xf32> to vector<1x128xf32>
    %mul3A_319 = arith.mulf %mul3A_318, %broadcast_in_dim3A_317 : vector<1x128xf32>
    %swap3A_320 = arith.constant 6 : index
    %swap3A_321 = arith.constant 0 : index
    %swap3A_322 = arith.constant 0 : index
    %swap3A_323 = vector.load %arg5[%swap3A_320, %swap3A_321, %swap3A_322] : memref<8x1x128xf32, #tpu.memory_space<vmem>>, vector<1x1x128xf32>
    %swap3A_324 = vector.shape_cast %swap3A_323 : vector<1x1x128xf32> to vector<1x128xf32>
    %swap3A_325 = vector.shape_cast %mul3A_319 : vector<1x128xf32> to vector<1x1x128xf32>
    tpu.vector_store %arg5[%swap3A_320, %swap3A_321, %swap3A_322], %swap3A_325 {strides = array<i32>} : memref<8x1x128xf32, #tpu.memory_space<vmem>>, vector<1x1x128xf32>,
    %get3A_326 = arith.constant 7 : index
    %get3A_327 = arith.constant 0 : index
    %get3A_328 = arith.constant 0 : index
    %get3A_329 = vector.load %arg3[%get3A_326, %get3A_327, %get3A_328] : memref<8x1x128xf32, #tpu.memory_space<vmem>>, vector<1x1x1xf32>
    %get3A_330 = vector.extract %get3A_329[0, 0, 0] : f32 from vector<1x1x1xf32>
    %get3A_331 = arith.constant 7 : index
    %get3A_332 = arith.constant 0 : index
    %get3A_333 = arith.constant 0 : index
    %get3A_334 = vector.load %arg4[%get3A_331, %get3A_332, %get3A_333] : memref<8x1x128xf32, #tpu.memory_space<vmem>>, vector<1x1x1xf32>
    %get3A_335 = vector.extract %get3A_334[0, 0, 0] : f32 from vector<1x1x1xf32>
    %slice3A_336 = vector.extract_strided_slice %add3A_11 {offsets = [448, 0], sizes = [64, 1024], strides = [1, 1]} : vector<512x1024xf32> to vector<64x1024xf32>
    %mul3A_337 = arith.constant -32.9115257 : f32
    %mul3A_338 = vector.broadcast %mul3A_337 : f32 to vector<64x1024xf32>
    %mul3A_339 = arith.mulf %slice3A_336, %mul3A_338 : vector<64x1024xf32>
    %mul3A_340 = vector.broadcast %get3A_335 : f32 to vector<64x1024xf32>
    %mul3A_341 = arith.mulf %mul3A_339, %mul3A_340 : vector<64x1024xf32>
    %exp3A_342 = math.exp %mul3A_341 : vector<64x1024xf32>
    %mul3A_343 = vector.broadcast %get3A_330 : f32 to vector<64x1024xf32>
    %mul3A_344 = arith.mulf %mul3A_343, %exp3A_342 : vector<64x1024xf32>
    %sub3A_345 = arith.constant 1.000000e+00 : f32
    %sub3A_346 = arith.subf %sub3A_345, %get3A_330 : f32
    %add3A_347 = vector.broadcast %sub3A_346 : f32 to vector<64x1024xf32>
    %add3A_348 = arith.addf %mul3A_344, %add3A_347 : vector<64x1024xf32>
    %lt3A_349 = arith.constant 0.030384494 : f32
    %lt3A_350 = vector.broadcast %lt3A_349 : f32 to vector<64x1024xf32>
    %lt3A_351 = arith.cmpf olt, %slice3A_336, %lt3A_350 : vector<64x1024xf32>
    %log3A_352 = math.log %add3A_348 : vector<64x1024xf32>
    %jit3A_353 = arith.constant 0.000000e+00 : f32
    %broadcast_in_dim3A_354 = vector.broadcast %jit3A_353 : f32 to vector<64x1024xf32>
    %select_n3A_355 = arith.select %lt3A_351, %log3A_352, %broadcast_in_dim3A_354 : vector<64x1024xi1>, vector<64x1024xf32>
    %reduce_sum3A_356 = vector.shape_cast %select_n3A_355 : vector<64x1024xf32> to vector<1x64x1024xf32>
    %reduce_sum3A_357 = arith.constant dense<0.000000e+00> : vector<1xf32>
    %reduce_sum3A_358 = vector.multi_reduction <add>, %reduce_sum3A_356, %reduce_sum3A_357 [1, 2] : vector<1x64x1024xf32> to vector<1xf32>
    %reduce_sum3A_359 = vector.shape_cast %reduce_sum3A_358 : vector<1xf32> to vector<1x1x1xf32>
    %reduce_sum3A_360 = vector.extract %reduce_sum3A_359[0, 0, 0] : f32 from vector<1x1x1xf32>
    %broadcast_in_dim3A_361 = vector.broadcast %reduce_sum3A_360 : f32 to vector<1x1xf32>
    %broadcast_in_dim3A_362 = arith.constant 1.000000e+00 : f32
    %broadcast_in_dim3A_363 = vector.broadcast %broadcast_in_dim3A_362 : f32 to vector<1x128xf32>
    %mul3A_364 = vector.broadcast %broadcast_in_dim3A_361 : vector<1x1xf32> to vector<1x128xf32>
    %mul3A_365 = arith.mulf %mul3A_364, %broadcast_in_dim3A_363 : vector<1x128xf32>
    %swap3A_366 = arith.constant 7 : index
    %swap3A_367 = arith.constant 0 : index
    %swap3A_368 = arith.constant 0 : index
    %swap3A_369 = vector.load %arg5[%swap3A_366, %swap3A_367, %swap3A_368] : memref<8x1x128xf32, #tpu.memory_space<vmem>>, vector<1x1x128xf32>
    %swap3A_370 = vector.shape_cast %swap3A_369 : vector<1x1x128xf32> to vector<1x128xf32>
    %swap3A_371 = vector.shape_cast %mul3A_365 : vector<1x128xf32> to vector<1x1x128xf32>
    tpu.vector_store %arg5[%swap3A_366, %swap3A_367, %swap3A_368], %swap3A_371 {strides = array<i32>} : memref<8x1x128xf32, #tpu.memory_space<vmem>>, vector<1x1x128xf32>,
    return
  }
  func.func @transform_0(%arg0: i32) -> (i32, i32, i32) {
    %c0_i32 = arith.constant 0 : i32
    %c0_i32_0 = arith.constant 0 : i32
    %c0_i32_1 = arith.constant 0 : i32
    return %c0_i32, %arg0, %c0_i32_0 : i32, i32, i32
  }
  func.func @transform_1(%arg0: i32) -> (i32, i32, i32) {
    %c0_i32 = arith.constant 0 : i32
    %c0_i32_0 = arith.constant 0 : i32
    %c0_i32_1 = arith.constant 0 : i32
    return %c0_i32, %arg0, %c0_i32_0 : i32, i32, i32
  }
  func.func @transform_2(%arg0: i32) -> (i32, i32, i32) {
    %c0_i32 = arith.constant 0 : i32
    %c0_i32_0 = arith.constant 0 : i32
    %c0_i32_1 = arith.constant 0 : i32
    return %arg0, %c0_i32, %c0_i32_0 : i32, i32, i32
  }
  func.func @transform_3(%arg0: i32) -> (i32, i32, i32) {
    %c0_i32 = arith.constant 0 : i32
    %c0_i32_0 = arith.constant 0 : i32
    %c0_i32_1 = arith.constant 0 : i32
    return %arg0, %c0_i32, %c0_i32_0 : i32, i32, i32
  }
  func.func @transform_4(%arg0: i32) -> (i32, i32, i32) {
    %c0_i32 = arith.constant 0 : i32
    %c0_i32_0 = arith.constant 0 : i32
    %c0_i32_1 = arith.constant 0 : i32
    return %arg0, %c0_i32, %c0_i32_0 : i32, i32, i32
  }
}

</mosaic_0001>

<sc_bundles>
// kernel: kernel.4.cloned.1.call-start
scs
__scs_entry_jumppad:
0x0: {  	(pc) =	sbr.rel $0x88, $3  }
0x1: {  	(tag) =	ssettag $0x0;
	lr =	simm.s32 $0x1  }
0x2: {  	[smem:$0x3F9D] =	sst lr;
	_ =	strace $0xD0000000  }
0x3: {  	_ = 	snop  }
0x4: {  	_ = 	snop  }
0x5: {  	_ = 	snop  }
0x6: {  	_ = 	snop  }
0x7: {  	_ = 	snop  }
__scs_overlays_trampoline_lowered:
0x8: {  	[smem:$0x3FAC] =	sst s0  }
0x9: {  	[smem:$0x3FAD] =	sst s1  }
0xa: {  	[smem:$0x3FAE] =	sst s2  }
0xb: {  	[smem:$0x3FAF] =	sst s3  }
0xc: {  	[smem:$0x3FB0] =	sst s4  }
0xd: {  	[smem:$0x3FB1] =	sst s5  }
0xe: {  	[smem:$0x3FB2] =	sst s6  }
0xf: {  	[smem:$0x3FB3] =	sst s7  }
0x10: {  	[smem:$0x3FB4] =	sst s8  }
0x11: {  	[smem:$0x3FB5] =	sst s9;
	s0 =	simm.s32 @!p0 $0x0  }
0x12: {  	s1 =	sld [smem:$0x3F9B];
	s0 =	simm.s32 @p0 $0x1  }
0x13: {  	[smem:$0x3FB6] =	sst s0;
	s0 =	simm.s32 @!p1 $0x0  }
0x14: {  	s2 =	sld [smem:$0x3F9A];
	s0 =	simm.s32 @p1 $0x1  }
0x15: {  	[smem:$0x3FB7] =	sst s0;
	s0 =	simm.s32 @!p2 $0x0  }
0x16: {  	s3 =	sld [smem:$0x3FDB];
	s0 =	simm.s32 @p2 $0x1  }
0x17: {  	s4 =	simm.s32 $0x1BF5;
	[smem:$0x3FB9] =	sst s0  }
0x18: {  	s0 =	sld [smem:$0x3F9C];
	_ =	swait.ge [sflag:s4], $0x0  }
0x19: {  	s7 =	sld [smem:$0x3F9D]  }
0x1a: {  	s8 =	sadd.s32 $0xFFFFE003, lr  }
0x1b: {  	s9 =	sadd.s32 $0xFFFFFEF7, lr;
	s5 =	simm.s32 $0xFFFFFFFF;
	p2 =	slt.u32 s8, $0xFFFFF086  }
0x1c: {  	p1 =	slt.u32 s9, $0xF7A;
	s5 =	simm.s32 @!p2 $0x0  }
0x1d: {  	s5 =	simm.s32 @p1 $0x1;
	p0 =	seq.s32 s7, s2  }
0x1e: {  	s7 =	smul.u32 @!p0 $0xF7A, s2;
	p2 =	seq.s32 @!p0 s5, $0x0  }
0x1f: {  	s9 =	smul.u32 $0xF7A, s1;
	s8 =	simm.s32 @!p0 $0x1BF5;
	p2 =	por !p2, p0  }
0x20: {  	[sflag:s8] =	ssyncset.s32 @!p0 $0xFFFFF086;
	s6 =	sadd.s32 @!p0 s3, s7;
	s7 =	simm.s32 @!p0 $0x108  }
0x21: {  	s3 =	sadd.s32 s3, s9;
	s6 =	sadd.s32 @!p0 $0x88, s6;
	s7 =	simm.s32 @p2 $0x1082  }
0x22: {  	[simem:s7], [sflag:s8] =	dma.local @!p0 [hbm:s6], $0xF7A  }
0x23: {  	s9 =	sor.u32 $0xD0000000, s2;
	s6 =	simm.s32 $0x108;
	_ =	swait.ge @!p0 [sflag:s8], $0x0  }
0x24: {  	s3 =	sadd.s32 $0x88, s3;
	s6 =	simm.s32 @!p1 $0x1082;
	[sflag:s4] =	ssyncset.s32 $0xFFFFF086  }
0x25: {  	[simem:s6], [sflag:s4] =	dma.local [hbm:s3], $0xF7A  }
0x26: {  	[smem:$0x3F9D] =	sst s1;
	(tag) =	ssettag s2;
	_ =	strace s9  }
0x27: {  	s1 =	sld [smem:$0x3FAD]  }
0x28: {  	s2 =	sld [smem:$0x3FAE]  }
0x29: {  	s4 =	sld [smem:$0x3FB0]  }
0x2a: {  	p0 =	seq.s32 s5, $0x0;
	s5 =	sld [smem:$0x3FB1]  }
0x2b: {  	s6 =	sld [smem:$0x3FB2]  }
0x2c: {  	s7 =	sld [smem:$0x3FB3]  }
0x2d: {  	s3 =	simm.s32 $0x108;
	s8 =	sld [smem:$0x3FB4]  }
0x2e: {  	s3 =	simm.s32 @!p0 $0x1082;
	s9 =	sld [smem:$0x3FB5]  }
0x2f: {  	lr =	sadd.s32 s0, s3;
	s0 =	sld [smem:$0x3FAC]  }
0x30: {  	s3 =	sld [smem:$0x3FAF]  }
0x31: {  	[smem:$0x3FB8] =	sst s10  }
0x32: {  	s10 =	sld [smem:$0x3FB6];
	_ =	sdelay $0x3  }
0x33: {  	p0 =	seq.s32 s10, $0x1;
	s10 =	sld [smem:$0x3FB8];
	_ =	sdelay $0x3  }
0x34: {  	[smem:$0x3FB8] =	sst s10  }
0x35: {  	s10 =	sld [smem:$0x3FB7];
	_ =	sdelay $0x3  }
0x36: {  	p1 =	seq.s32 s10, $0x1;
	s10 =	sld [smem:$0x3FB8];
	_ =	sdelay $0x3  }
0x37: {  	[smem:$0x3FB8] =	sst s10  }
0x38: {  	s10 =	sld [smem:$0x3FB9]  }
0x39: {  	_ = 	snop;
	(pc) =	sbr.ind lr, $3  }
0x3a: {  	_ = 	snop  }
0x3b: {  	_ = 	snop  }
0x3c: {  	p2 =	seq.s32 s10, $0x1;
	s10 =	sld [smem:$0x3FB8]  }
0x3d: {  	_ =	shalt  }
0x3e: {  	_ =	shalt  }
0x3f: {  	_ =	shalt  }
0x40: {  	_ =	shalt  }
0x41: {  	_ =	shalt  }
0x42: {  	_ =	shalt  }
0x43: {  	_ =	shalt  }
0x44: {  	_ =	shalt  }
0x45: {  	_ =	shalt  }
0x46: {  	_ =	shalt  }
0x47: {  	_ =	shalt  }
0x48: {  	_ =	shalt  }
0x49: {  	_ =	shalt  }
0x4a: {  	_ =	shalt  }
0x4b: {  	_ =	shalt  }
0x4c: {  	_ =	shalt  }
0x4d: {  	_ =	shalt  }
0x4e: {  	_ =	shalt  }
0x4f: {  	_ =	shalt  }
0x50: {  	_ =	shalt  }
0x51: {  	_ =	shalt  }
0x52: {  	_ =	shalt  }
0x53: {  	_ =	shalt  }
0x54: {  	_ =	shalt  }
0x55: {  	_ =	shalt  }
0x56: {  	_ =	shalt  }
0x57: {  	_ =	shalt  }
0x58: {  	_ =	shalt  }
0x59: {  	_ =	shalt  }
0x5a: {  	_ =	shalt  }
0x5b: {  	_ =	shalt  }
0x5c: {  	_ =	shalt  }
0x5d: {  	_ =	shalt  }
0x5e: {  	_ =	shalt  }
0x5f: {  	_ =	shalt  }
0x60: {  	_ =	shalt  }
0x61: {  	_ =	shalt  }
0x62: {  	_ =	shalt  }
0x63: {  	_ =	shalt  }
0x64: {  	_ =	shalt  }
0x65: {  	_ =	shalt  }
0x66: {  	_ =	shalt  }
0x67: {  	_ =	shalt  }
0x68: {  	_ =	shalt  }
0x69: {  	_ =	shalt  }
0x6a: {  	_ =	shalt  }
0x6b: {  	_ =	shalt  }
0x6c: {  	_ =	shalt  }
0x6d: {  	_ =	shalt  }
0x6e: {  	_ =	shalt  }
0x6f: {  	_ =	shalt  }
0x70: {  	_ =	shalt  }
0x71: {  	_ =	shalt  }
0x72: {  	_ =	shalt  }
0x73: {  	_ =	shalt  }
0x74: {  	_ =	shalt  }
0x75: {  	_ =	shalt  }
0x76: {  	_ =	shalt  }
0x77: {  	_ =	shalt  }
0x78: {  	_ =	shalt  }
0x79: {  	_ =	shalt  }
0x7a: {  	_ =	shalt  }
0x7b: {  	_ =	shalt  }
0x7c: {  	_ =	shalt  }
0x7d: {  	_ =	shalt  }
0x7e: {  	_ =	shalt  }
0x7f: {  	_ =	shalt  }
0x80: {  	_ =	shalt  }
0x81: {  	_ =	shalt  }
0x82: {  	_ =	shalt  }
0x83: {  	_ =	shalt  }
0x84: {  	_ =	shalt  }
0x85: {  	_ =	shalt  }
0x86: {  	_ =	shalt  }
0x87: {  	_ =	shalt  }
.Lfunc_end0:
.L_simem_size_0:
called_computation_lowered:
.L_overlay_start_0:
0x88: {  	s2 =	sld [smem:$0x3FD9]  }
0x89: {  	s3 =	sld [smem:$0x3FFE];
	_ =	sdelay $0x1  }
0x8a: {  	s1 =	srdreg.scid  }
0x8b: {  	s0 =	sand.u32 $0x1, s1  }
0x8c: {  	s16 =	sshll.u32 s0, $0xA;
	s2 =	sadd.s32 s3, s2  }
0x8d: {  	s2 =	sadd.s32 s2, s16  }
0x8e: {  	[smem:$0x3FC4] =	sst s2  }
0x8f: {  	_ = 	snop  }
0x90: {  	(tm) =	ssettm $0x1  }
0x91: {  	s17 =	sld [smem:$0x3FFB];
	_ =	sdelay $0x3  }
0x92: {  	_ =	strace s17  }
0x93: {  	s2 =	sld [smem:$0x3FFC];
	_ =	sdelay $0x3  }
0x94: {  	_ =	strace s2  }
0x95: {  	s2 =	sld [smem:$0x3FFD];
	_ =	sdelay $0x3  }
0x96: {  	_ =	strace s2  }
0x97: {  	_ =	strace $0x8FFFFFFF  }
0x98: {  	s18 =	sld [smem:$0x3FDB];
	_ =	sdelay $0x1  }
0x99: {  	s19 =	simm.s32 $_scs_section_size  }
0x9a: {  	s4 =	simm.s32 $_size__tile_overlayer_lowered;
	s5 =	simm.s32 $_tile_overlayer_lowered  }
0x9b: {  	s22 =	simm.s32 $0x1BFF;
	s21 =	sshll.u32 s5, $0x1;
	s2 =	sadd.s32 s19, s18  }
0x9c: {  	s6 =	simm.s32 $0x0;
	s20 =	sshll.u32 s4, $0x1;
	s4 =	sadd.s32 s21, s2  }
0x9d: {  	[timem:s6], [sflag:s22] =	dma.local [hbm:s4], s20  }
0x9e: {  	_ =	swait.ge [sflag:s22], s20  }
0x9f: {  	s3 =	ssub.s32 $0x0, s20;
	[sflag:s22] =	ssyncset.done $0x0  }
0xa0: {  	[sflag:s22] =	ssyncadd.s32 s3;
	_ =	sdelay $0x1  }
0xa1: {  	s23 =	simm.s32 $0x1B8B  }
0xa2: {  	_ =	swait.ge [sflag:s23], $0x1  }
0xa3: {  	[sflag:s23] =	ssyncset.done $0x0  }
0xa4: {  	s25 =	simm.s32 $0x1B8E;
	s24 =	sld [smem:$0x3FFE];
	[sflag:s23] =	ssyncadd.s32 $0xFFFFFFFF  }
0xa5: {  	s26 =	simm.s32 $execute0_lowered;
	[smem:$0x3FD2] =	sst s25  }
0xa6: {  	s4 =	sshll.u32 s26, $0x1;
	_ =	strace $0x80000046;
	[dreg:$0x1] =	wrdreg $0xFFFFFFFF  }
0xa7: {  	s28 =	simm.s32 $_size_execute0_lowered;
	s2 =	sadd.s32 s2, s4;
	[dreg:$0x0] =	wrdreg $0x0  }
0xa8: {  	s4 =	sshll.u32 s28, $0x1;
	[dreg:$0x2] =	wrdreg s2  }
0xa9: {  	[dreg:$0x3] =	wrdreg s4  }
0xaa: {  	[dreg:$0x4] =	wrdreg $0xC0  }
0xab: {  	_ =	task [dreg:s6], $0x5FFFF  }
0xac: {  	[dreg:$0x1] =	wrdreg $0xFFFFFFFF  }
0xad: {  	[dreg:$0x0] =	wrdreg $0x60  }
0xae: {  	[dreg:$0x2] =	wrdreg s24  }
0xaf: {  	[dreg:$0x3] =	wrdreg $0x9  }
0xb0: {  	_ =	task.clear_ibuf [dreg:s6], $0x4FFFF;
	_ =	strace $0x90000046  }
0xb1: {  	s29 =	simm.s32 $0x9;
	_ =	strace $0x80000048  }
0xb2: {  	_ =	swait.ge [sflag:s29], $0x1  }
0xb3: {  	[sflag:s29] =	ssyncadd.s32 $0xFFFFFFFF  }
0xb4: {  	_ =	strace $0x90000048  }
0xb5: {  	_ =	sfence  }
0xb6: {  	s30 =	sld [smem:$0x0];
	_ =	sdelay $0x2  }
0xb7: {  	s31 =	sshll.u32 s1, $0xD;
	s1 =	sshrl.u32 s1, $0x2  }
0xb8: {  	s3 =	sand.u32 $0x4000, s31;
	s1 =	sadd.s32 s1, s30  }
0xb9: {  	s0 =	sor.u32 s3, s0;
	s1 =	sshll.u32 s1, $0x11  }
0xba: {  	s0 =	sor.u32 s1, s0  }
0xbb: {  	s0 =	sadd.s32 $0x8F2B, s0  }
0xbc: {  	[sflag:s0] =	ssyncadd.remote.s32 $0x1  }
0xbd: {  	_ =	sfence.sel $0xFFFF  }
0xbe: {  	[dreg:$0x0] =	wrdreg $0xFFFFFFFF;
	(pc) =	sbr.abs _section_cstart, $3  }
0xbf: {  	[dreg:$0x1] =	wrdreg $0xFFFFFFFF  }
0xc0: {  	_ =	task.clear_ibuf [dreg:s6], $0x2FFFF;
	_ =	strace $0x9FFFFFFF  }
0xc1: {  	(tm) =	ssettm $0x7FFFFFFF  }
tec
execute0_lowered:
.L_overlay_start_1:
0x0: {  	(tag) =	ssettag $0x1  }
0x1: {  	s5 =	rddreg [dreg:$0x0]  }
0x2: {  	s0 =	rddreg [dreg:$0x1];
	s1 =	simm.s32 $0x0;
	s6 =	srdreg.scid  }
0x3: {  	s2 =	stileid.u32;
	s12 =	simm.s32 $0xC080;
	s13 =	simm.s32 $0x6000  }
0x4: {  	s14 =	simm.s32 $0x2000;
	s15 =	simm.s32 $0x8000;
	s16 =	simm.s32 $0x4000  }
0x5: {  	s17 =	simm.s32 $0xA000;
	s18 =	simm.s32 $0xC100;
	s19 =	simm.s32 $0x0  }
0x6: {  	[smem:$0x7FF] =	sst s1;
	s3 =	sadd.s32 $0x180400, s5;
	s4 =	sadd.s32 $0x400, s5  }
0x7: {  	s6 =	sand.u32 $0x1, s6;
	s7 =	sshll.u32 s2, $0x2;
	s9 =	sshrl.u32 s2, $0x1  }
0x8: {  	_ =	strace $0x80000047;
	s8 =	sshll.u32 s6, $0x1;
	s6 =	ssub.s32 $0x2, s6  }
0x9: {  	s30 =	sor.u32 $0x38, s9;
	s7 =	sor.u32 s8, s7;
	s10 =	sshrl.u32 s6, $0x1  }
0xa: {  	s11 =	sshll.u32 s30, $0x1;
	s8 =	sshll.u32 s30, $0x3;
	s31 =	sadd.s32 s7, s5  }
0xb: {  	s5 =	sadd.s32 s5, s11;
	s7 =	sand.u32 $0x6, s7;
	s10 =	ssub.s32 s6, s10  }
0xc: {  	s11 =	simm.s32 $0x1;
	s6 =	sadd.s32 $0x200, s5;
	s7 =	sor.u32 s7, s8  }
0xd: {  	v0 =	vimm.s32 $0x0;
	s8 =	sadd.s32 $0x300400, s31;
	s9 =	smax.u32 s10, $0x1;
	s10 =	simm.s32 $0xC000  }
.LBB2_1:
0xe: {  	[tilespmem:s10], [sflag:$0x1] =	stream.linear.gather [hbm4b:s6+s1], $0x10, $0x38;
	[tilespmem:$0xC180] =	vst v63  }
0xf: {  	_ =	swait.ge [sflag:s11], $0x10  }
0x10: {  	[sflag:s11] =	ssyncset.done $0x0  }
0x11: {  	[sflag:s11] =	ssyncadd.s32 $0xFFFFFFF0  }
0x12: {  	[tilespmem:s12], [sflag:$0x1] =	stream.linear.gather [hbm4b:s5+s1], $0x10, $0x38;
	[tilespmem:$0xC180] =	vst v63  }
0x13: {  	_ =	swait.ge [sflag:s11], $0x10  }
0x14: {  	[sflag:s11] =	ssyncset.done $0x0  }
0x15: {  	[sflag:s11] =	ssyncadd.s32 $0xFFFFFFF0  }
0x16: {  	v1 =	vld [tilespmem:$0xC000];
	_ =	sdelay $0x4  }
0x17: {  	p1 =	por $0x1, $0x1;
	v4 =	vimm.f32 $0.0e+00;
	s20 =	simm.s32 $0x0;
	v2 =	vld [tilespmem:$0xC080];
	v3 =	vsub.f32 $1.000000000e+00, v1  }
.LBB2_2:
0x18: {  	s20 =	sor.u32 s7, s20  }
0x19: {  	s21 =	sshll.u32 s20, $0xA  }
0x1a: {  	s20 =	simm.s32 $0x0;
	s22 =	sadd.s32 s3, s21  }
0x1b: {  	[tilespmem:s20], [sflag:$0x1] =	stream.linear.gather [hbm4b:s22+s20], $0x2000, $0x38;
	[tilespmem:$0xC180] =	vst v63  }
0x1c: {  	_ =	swait.ge [sflag:s11], $0x2000  }
0x1d: {  	[sflag:s11] =	ssyncset.done $0x0  }
0x1e: {  	s25 =	sadd.s32 s4, s21;
	[sflag:s11] =	ssyncadd.s32 $0xFFFFE000  }
0x1f: {  	[tilespmem:s13], [sflag:$0x1] =	stream.linear.gather [hbm4b:s25+s20], $0x2000, $0x38;
	[tilespmem:$0xC180] =	vst v63  }
0x20: {  	s21 =	sand.u32 $0x1FFFFC00, s21;
	_ =	swait.ge [sflag:s11], $0x2000  }
0x21: {  	s26 =	sadd.s32 $0x80000, s21;
	[sflag:s11] =	ssyncset.done $0x0  }
0x22: {  	s23 =	sadd.s32 s3, s26;
	[sflag:s11] =	ssyncadd.s32 $0xFFFFE000  }
0x23: {  	[tilespmem:s14], [sflag:$0x1] =	stream.linear.gather [hbm4b:s23+s20], $0x2000, $0x38;
	[tilespmem:$0xC180] =	vst v63  }
0x24: {  	_ =	swait.ge [sflag:s11], $0x2000  }
0x25: {  	[sflag:s11] =	ssyncset.done $0x0  }
0x26: {  	s22 =	sadd.s32 s4, s26;
	[sflag:s11] =	ssyncadd.s32 $0xFFFFE000  }
0x27: {  	[tilespmem:s15], [sflag:$0x1] =	stream.linear.gather [hbm4b:s22+s20], $0x2000, $0x38;
	[tilespmem:$0xC180] =	vst v63  }
0x28: {  	_ =	swait.ge [sflag:s11], $0x2000  }
0x29: {  	s21 =	sadd.s32 $0x100000, s21;
	[sflag:s11] =	ssyncset.done $0x0  }
0x2a: {  	s28 =	sadd.s32 s3, s21;
	[sflag:s11] =	ssyncadd.s32 $0xFFFFE000  }
0x2b: {  	[tilespmem:s16], [sflag:$0x1] =	stream.linear.gather [hbm4b:s28+s20], $0x2000, $0x38;
	[tilespmem:$0xC180] =	vst v63  }
0x2c: {  	_ =	swait.ge [sflag:s11], $0x2000  }
0x2d: {  	[sflag:s11] =	ssyncset.done $0x0  }
0x2e: {  	s21 =	sadd.s32 s4, s21;
	[sflag:s11] =	ssyncadd.s32 $0xFFFFE000  }
0x2f: {  	[tilespmem:s17], [sflag:$0x1] =	stream.linear.gather [hbm4b:s21+s20], $0x2000, $0x38;
	[tilespmem:$0xC180] =	vst v63  }
0x30: {  	_ =	swait.ge [sflag:s11], $0x2000  }
0x31: {  	s29 =	sand.u32 $0x70, s20;
	s30 =	sand.u32 $0x1C00, s20;
	[sflag:s11] =	ssyncset.done $0x0  }
0x32: {  	s21 =	sor.u32 s29, s30;
	[sflag:s11] =	ssyncadd.s32 $0xFFFFE000  }
0x33: {  	v5 =	vld [tilespmem:s21+$0x4380]  }
0x34: {  	v6 =	vld [tilespmem:s21+$0xA380]  }
0x35: {  	s31 =	sor.u32 s20, s20;
	v7 =	vld [tilespmem:s21+$0x4300]  }
0x36: {  	s22 =	sor.u32 $0x380, s31;
	v8 =	vld [tilespmem:s21+$0xA300]  }
0x37: {  	v9 =	vld [tilespmem:s22+$0x0]  }
0x38: {  	v10 =	vld [tilespmem:s21+$0x6380]  }
0x39: {  	v11 =	vld [tilespmem:s21+$0x2380]  }
0x3a: {  	v12 =	vld [tilespmem:s21+$0x8380]  }
0x3b: {  	v13 =	vld [tilespmem:s21+$0x4280]  }
0x3c: {  	v14 =	vld [tilespmem:s21+$0xA280]  }
0x3d: {  	v15 =	vld [tilespmem:s21+$0x300]  }
0x3e: {  	v16 =	vld [tilespmem:s21+$0x6300]  }
0x3f: {  	v17 =	vld [tilespmem:s21+$0x2300]  }
0x40: {  	v18 =	vld [tilespmem:s21+$0x8300]  }
0x41: {  	v19 =	vld [tilespmem:s21+$0x4200]  }
0x42: {  	v20 =	vld [tilespmem:s21+$0xA200]  }
0x43: {  	v21 =	vld [tilespmem:s21+$0x280]  }
0x44: {  	v22 =	vld [tilespmem:s21+$0x6280]  }
0x45: {  	v23 =	vld [tilespmem:s21+$0x2280]  }
0x46: {  	v24 =	vld [tilespmem:s21+$0x8280]  }
0x47: {  	v25 =	vld [tilespmem:s21+$0x4180]  }
0x48: {  	v26 =	vld [tilespmem:s21+$0xA180]  }
0x49: {  	v27 =	vld [tilespmem:s21+$0x200]  }
0x4a: {  	v28 =	vld [tilespmem:s21+$0x6200]  }
0x4b: {  	v29 =	vld [tilespmem:s21+$0x2200]  }
0x4c: {  	v30 =	vld [tilespmem:s21+$0x8200]  }
0x4d: {  	v31 =	vld [tilespmem:s21+$0x4100]  }
0x4e: {  	v32 =	vld [tilespmem:s21+$0xA100]  }
0x4f: {  	v33 =	vld [tilespmem:s21+$0x180]  }
0x50: {  	v34 =	vld [tilespmem:s21+$0x6180]  }
0x51: {  	v35 =	vld [tilespmem:s21+$0x2180]  }
0x52: {  	v36 =	vld [tilespmem:s21+$0x8180]  }
0x53: {  	v37 =	vld [tilespmem:s21+$0x4080]  }
0x54: {  	v38 =	vld [tilespmem:s21+$0xA080]  }
0x55: {  	v39 =	vld [tilespmem:s21+$0x100]  }
0x56: {  	v40 =	vld [tilespmem:s21+$0x6100]  }
0x57: {  	v41 =	vld [tilespmem:s21+$0x2100];
	v5 =	vsub.f32 v5, v6  }
0x58: {  	v55 =	vld [tilespmem:s21+$0x6080];
	v7 =	vsub.f32 v7, v8;
	v8 =	vsub.f32 v9, v10  }
0x59: {  	v57 =	vld [tilespmem:s21+$0x2080];
	v10 =	vsub.f32 v11, v12;
	v11 =	vsub.f32 v13, v14  }
0x5a: {  	v60 =	vld [tilespmem:s21+$0x8080];
	v13 =	vsub.f32 v15, v16;
	v14 =	vsub.f32 v17, v18  }
0x5b: {  	v63 =	vld [tilespmem:s21+$0x0];
	v16 =	vsub.f32 v19, v20;
	v54 =	vsub.f32 v21, v22  }
0x5c: {  	v43 =	vld [tilespmem:s21+$0x6000];
	v19 =	vsub.f32 v25, v26;
	v56 =	vsub.f32 v23, v24  }
0x5d: {  	v45 =	vld [tilespmem:s21+$0x2000];
	v58 =	vsub.f32 v27, v28;
	v59 =	vsub.f32 v29, v30  }
0x5e: {  	v6 =	vld [tilespmem:s21+$0x8100];
	v61 =	vsub.f32 v31, v32;
	v62 =	vsub.f32 v33, v34  }
0x5f: {  	v9 =	vld [tilespmem:s21+$0x4000];
	v42 =	vsub.f32 v35, v36;
	v7 =	vmul.f32 v7, v7;
	v5 =	vmul.f32 v5, v5  }
0x60: {  	v12 =	vld [tilespmem:s21+$0xA000];
	v44 =	vsub.f32 v37, v38;
	v8 =	vmul.f32 v8, v8;
	v10 =	vmul.f32 v10, v10  }
0x61: {  	v15 =	vld [tilespmem:s21+$0x80];
	v49 =	vsub.f32 v57, v60;
	v11 =	vmul.f32 v11, v11;
	v13 =	vmul.f32 v13, v13  }
0x62: {  	v47 =	vld [tilespmem:s21+$0x8000];
	v52 =	vsub.f32 v63, v43;
	v50 =	vmul.f32 v58, v58;
	v51 =	vmul.f32 v59, v59  }
0x63: {  	v46 =	vsub.f32 v39, v40;
	v53 =	vmul.f32 v62, v62;
	v17 =	vmul.f32 v49, v49  }
0x64: {  	v16 =	vmul.f32 v16, v16;
	v8 =	vadd.f32 v10, v8;
	v10 =	vmul.f32 v52, v52  }
0x65: {  	v6 =	vsub.f32 v41, v6;
	v48 =	vsub.f32 v9, v12;
	v9 =	vmul.f32 v14, v14  }
0x66: {  	v12 =	vsub.f32 v15, v55;
	v14 =	vmul.f32 v54, v54;
	v15 =	vmul.f32 v56, v56  }
0x67: {  	v54 =	vmul.f32 v42, v42;
	v55 =	vsub.f32 v45, v47;
	v56 =	vmul.f32 v46, v46  }
0x68: {  	v18 =	vadd.f32 v51, v50;
	v6 =	vmul.f32 v6, v6;
	v12 =	vmul.f32 v12, v12  }
0x69: {  	v14 =	vadd.f32 v15, v14;
	v13 =	vadd.f32 v9, v13;
	v9 =	vmul.f32 v55, v55  }
0x6a: {  	v19 =	vmul.f32 v19, v19;
	v15 =	vadd.f32 v54, v53;
	v17 =	vadd.f32 v17, v12  }
0x6b: {  	v58 =	vmul.f32 v44, v44;
	v6 =	vadd.f32 v6, v56;
	v57 =	vadd.f32 v9, v10  }
0x6c: {  	v9 =	vadd.f32 v5, v8;
	v5 =	vmul.f32 v61, v61;
	v8 =	vadd.f32 v7, v13  }
0x6d: {  	v10 =	vadd.f32 v11, v14;
	v12 =	vadd.f32 v16, v18;
	v13 =	vmul.f32 v48, v48  }
0x6e: {  	v11 =	vadd.f32 v19, v15;
	v7 =	vmul.f32 v9, v2;
	v14 =	vmul.f32 v8, v2  }
0x6f: {  	v6 =	vadd.f32 v5, v6;
	v15 =	vmul.f32 v12, v2;
	v60 =	vmul.f32 v10, v2  }
0x70: {  	v5 =	vadd.f32 v13, v57;
	v13 =	vmul.f32 v11, v2;
	v59 =	vmul.f32 $1.442695020e+00, v7  }
0x71: {  	v61 =	vmul.f32 v6, v2;
	v14 =	vmul.f32 $1.442695020e+00, v14  }
0x72: {  	v7 =	vadd.f32 v58, v17;
	v63 =	vmul.f32 v5, v2;
	v17 =	vmul.f32 $1.442695020e+00, v60  }
0x73: {  	v15 =	vmul.f32 $1.442695020e+00, v15;
	(erf) = vpow2.f32 v59  }
0x74: {  	v13 =	vmul.f32 $1.442695020e+00, v13;
	(erf) = vpow2.f32 v14  }
0x75: {  	v62 =	vmul.f32 v7, v2;
	(erf) = vpow2.f32 v17  }
0x76: {  	v14 =	vmul.f32 $1.442695020e+00, v61;
	(erf) = vpow2.f32 v15  }
0x77: {  	v15 =	vmul.f32 $1.442695020e+00, v62;
	(erf) = vpow2.f32 v13  }
0x78: {  	v13 =	vmul.f32 $1.442695020e+00, v63;
	(erf) = vpow2.f32 v14  }
0x79: {  	(erf) = vpow2.f32 v15  }
0x7a: {  	(erf) = vpow2.f32 v13;
	_ =	sdelay $0x1  }
0x7b: {  	p0 =	por p1, p1;
	s21 =	simm.s32 $0x10;
	v13 =	vpop (erf)  }
.LBB2_3:
0x7c: {  	p1 =	sne.s32 s21, $0x3F0;
	v14 =	vpop (erf)  }
0x7d: {  	vm1 =	vlt.f32 v9, $3.038449400e-02;
	v9 =	vpop (erf)  }
0x7e: {  	vm2 =	vlt.f32 v12, $3.038449400e-02;
	vm3 =	vlt.f32 v10, $3.038449400e-02;
	vm4 =	vlt.f32 v8, $3.038449400e-02;
	v8 =	vpop (erf)  }
0x7f: {  	vm0 =	vlt.f32 v11, $3.038449400e-02;
	v11 =	vmul.f32 v13, v1;
	v10 =	vmul.f32 v14, v1;
	v12 =	vpop (erf)  }
0x80: {  	vm5 =	vlt.f32 v6, $3.038449400e-02;
	v6 =	vmul.f32 v8, v1;
	v8 =	vmul.f32 v9, v1;
	v9 =	vpop (erf)  }
0x81: {  	vm6 =	vlt.f32 v7, $3.038449400e-02;
	v7 =	vmul.f32 v9, v1;
	v9 =	vmul.f32 v12, v1;
	v12 =	vpop (erf)  }
0x82: {  	v11 =	vadd.f32 v11, v3;
	v10 =	vadd.f32 v10, v3;
	v12 =	vmul.f32 v12, v1;
	v13 =	vpop (erf)  }
0x83: {  	v6 =	vadd.f32 v6, v3;
	v8 =	vadd.f32 v8, v3;
	v13 =	vmul.f32 v13, v1  }
0x84: {  	vm7 =	vlt.f32 v5, $3.038449400e-02;
	v5 =	vadd.f32 v7, v3;
	v9 =	vadd.f32 v9, v3  }
0x85: {  	v7 =	vnsel vm1, $0x3F800000, v11;
	v12 =	vadd.f32 v12, v3;
	v13 =	vadd.f32 v13, v3  }
0x86: {  	v10 =	vnsel vm4, $0x3F800000, v10;
	v6 =	vnsel vm2, $0x3F800000, v6;
	v8 =	vnsel vm3, $0x3F800000, v8  }
0x87: {  	v5 =	vnsel vm5, $0x3F800000, v5;
	v9 =	vnsel vm0, $0x3F800000, v9;
	v11 =	vnsel vm6, $0x3F800000, v12  }
0x88: {  	v14 =	vshra.s32 v10, $0x17;
	v12 =	vnsel vm7, $0x3F800000, v13;
	v13 =	vshra.s32 v8, $0x17  }
0x89: {  	v17 =	vshra.s32 v6, $0x17;
	v15 =	vshra.s32 v5, $0x17;
	v16 =	vshra.s32 v9, $0x17  }
0x8a: {  	v20 =	vand.u32 $0x7FFFFF, v7;
	v19 =	vshra.s32 v11, $0x17;
	v18 =	vshra.s32 v12, $0x17  }
0x8b: {  	v10 =	vand.u32 $0x7FFFFF, v10;
	v6 =	vand.u32 $0x7FFFFF, v6;
	v8 =	vand.u32 $0x7FFFFF, v8  }
0x8c: {  	v5 =	vand.u32 $0x7FFFFF, v5;
	v9 =	vand.u32 $0x7FFFFF, v9;
	v11 =	vand.u32 $0x7FFFFF, v11  }
0x8d: {  	v10 =	vor.u32 $0x3F800000, v10;
	v20 =	vor.u32 $0x3F800000, v20;
	v12 =	vand.u32 $0x7FFFFF, v12  }
0x8e: {  	v6 =	vor.u32 $0x3F800000, v6;
	v9 =	vor.u32 $0x3F800000, v9;
	v8 =	vor.u32 $0x3F800000, v8  }
0x8f: {  	v5 =	vor.u32 $0x3F800000, v5;
	v11 =	vor.u32 $0x3F800000, v11;
	v12 =	vor.u32 $0x3F800000, v12  }
0x90: {  	vm4 =	vgt.f32 v10, $1.414213540e+00;
	vm0 =	vgt.f32 v20, $1.414213540e+00;
	v21 =	vmul.f32 $5.000000000e-01, v20  }
0x91: {  	v23 =	vmul.f32 $5.000000000e-01, v10;
	vm3 =	vgt.f32 v8, $1.414213540e+00;
	v22 =	vmul.f32 $5.000000000e-01, v8  }
0x92: {  	v24 =	vmul.f32 $5.000000000e-01, v6;
	vm7 =	vgt.f32 v6, $1.414213540e+00;
	vm2 =	vgt.f32 v9, $1.414213540e+00  }
0x93: {  	vm6 =	vgt.f32 v5, $1.414213540e+00;
	v25 =	vmul.f32 $5.000000000e-01, v5;
	v26 =	vmul.f32 $5.000000000e-01, v9  }
0x94: {  	vm5 =	vgt.f32 v11, $1.414213540e+00;
	v27 =	vmul.f32 $5.000000000e-01, v11;
	vm1 =	vgt.f32 v12, $1.414213540e+00  }
0x95: {  	v30 =	vsel vm4, $0x1, v0;
	v28 =	vmul.f32 $5.000000000e-01, v12;
	v29 =	vsel vm3, $0x1, v0  }
0x96: {  	v33 =	vsel vm7, $0x1, v0;
	v31 =	vsel vm6, $0x1, v0;
	v32 =	vsel vm2, $0x1, v0  }
0x97: {  	v14 =	vadd.s32 v30, v14;
	v35 =	vsel vm5, $0x1, v0;
	v34 =	vsel vm1, $0x1, v0  }
0x98: {  	s20 =	sadd.s32 $0x80, s20;
	v17 =	vadd.s32 v33, v17;
	v16 =	vadd.s32 v32, v16;
	v13 =	vadd.s32 v29, v13  }
0x99: {  	s22 =	sand.u32 $0x70, s21;
	s23 =	sand.u32 $0x1C00, s20;
	v10 =	vsel vm4, v23, v10;
	v20 =	vsel vm0, v21, v20;
	v15 =	vadd.s32 v31, v15  }
0x9a: {  	s22 =	sor.u32 s22, s23;
	v6 =	vsel vm7, v24, v6;
	v21 =	vadd.f32 $-1.000000000e+00, v20;
	v8 =	vsel vm3, v22, v8  }
0x9b: {  	v10 =	vadd.f32 $-1.000000000e+00, v10;
	v5 =	vsel vm6, v25, v5;
	v9 =	vsel vm2, v26, v9;
	v20 =	vld [tilespmem:s22+$0x4380]  }
0x9c: {  	v11 =	vsel vm5, v27, v11;
	v24 =	vadd.f32 $-1.000000000e+00, v8;
	v8 =	vadd.f32 $2.000000000e+00, v21;
	v22 =	vld [tilespmem:s22+$0xA380]  }
0x9d: {  	s23 =	sor.u32 s20, s21;
	v26 =	vadd.f32 $-1.000000000e+00, v6;
	v6 =	vadd.f32 $2.000000000e+00, v10;
	v12 =	vsel vm1, v28, v12;
	v23 =	vld [tilespmem:s22+$0x4300]  }
0x9e: {  	s23 =	sor.u32 $0x380, s23;
	v27 =	vadd.f32 $-1.000000000e+00, v9;
	v9 =	vadd.f32 $2.000000000e+00, v24;
	v25 =	vld [tilespmem:s22+$0xA300];
	(erf) = vrcp.f32 v8  }
0x9f: {  	v28 =	vadd.f32 $-1.000000000e+00, v5;
	v5 =	vadd.f32 $2.000000000e+00, v26;
	v8 =	vld [tilespmem:s23+$0x0];
	(erf) = vrcp.f32 v6  }
0xa0: {  	v30 =	vadd.f32 $-1.000000000e+00, v11;
	v6 =	vadd.f32 $2.000000000e+00, v27;
	v29 =	vld [tilespmem:s22+$0x6380];
	(erf) = vrcp.f32 v9  }
0xa1: {  	v31 =	vadd.f32 $-1.000000000e+00, v12;
	v11 =	vadd.f32 $2.000000000e+00, v28;
	v9 =	vld [tilespmem:s22+$0x2380];
	(erf) = vrcp.f32 v5  }
0xa2: {  	v5 =	vadd.s32 v35, v19;
	v19 =	vadd.f32 $2.000000000e+00, v30;
	v12 =	vld [tilespmem:s22+$0x8380];
	(erf) = vrcp.f32 v6  }
0xa3: {  	v6 =	vadd.s32 v34, v18;
	v18 =	vadd.f32 $2.000000000e+00, v31;
	v32 =	vld [tilespmem:s22+$0x4280];
	(erf) = vrcp.f32 v11  }
0xa4: {  	v14 =	vadd.s32 $0xFFFFFF81, v14;
	v13 =	vadd.s32 $0xFFFFFF81, v13;
	v11 =	vld [tilespmem:s22+$0xA280];
	(erf) = vrcp.f32 v19  }
0xa5: {  	v17 =	vadd.s32 $0xFFFFFF81, v17;
	v19 =	vadd.s32 $0xFFFFFF81, v16;
	v33 =	vld [tilespmem:s22+$0x300];
	(erf) = vrcp.f32 v18  }
0xa6: {  	v15 =	vadd.s32 $0xFFFFFF81, v15;
	v16 =	vcvt.s32.f32 v13;
	v13 =	vcvt.s32.f32 v14;
	v34 =	vld [tilespmem:s22+$0x6300]  }
0xa7: {  	v17 =	vcvt.s32.f32 v17;
	v5 =	vadd.s32 $0xFFFFFF81, v5;
	v19 =	vcvt.s32.f32 v19;
	v14 =	vld [tilespmem:s22+$0x2300];
	v35 =	vpop (erf)  }
0xa8: {  	v43 =	vcvt.s32.f32 v15;
	v6 =	vadd.s32 $0xFFFFFF81, v6;
	v44 =	vcvt.s32.f32 v5;
	v36 =	vld [tilespmem:s22+$0x8300];
	v38 =	vpop (erf)  }
0xa9: {  	v5 =	vsub.f32 v20, v22;
	v40 =	vcvt.s32.f32 v6;
	v18 =	vmul.f32 $6.931471820e-01, v17;
	v39 =	vld [tilespmem:s22+$0x4200];
	v41 =	vpop (erf)  }
0xaa: {  	v22 =	vmul.f32 $6.931471820e-01, v43;
	v6 =	vsub.f32 v23, v25;
	v20 =	vmul.f32 $6.931471820e-01, v19;
	v42 =	vld [tilespmem:s22+$0xA200];
	v15 =	vpop (erf)  }
0xab: {  	v8 =	vsub.f32 v8, v29;
	v25 =	vmul.f32 $6.931471820e-01, v44;
	v29 =	vmul.f32 $6.931471820e-01, v40;
	v43 =	vld [tilespmem:s22+$0x280];
	v37 =	vpop (erf)  }
0xac: {  	v9 =	vsub.f32 v9, v12;
	v17 =	vmul.f32 v35, v21;
	v19 =	vmul.f32 v38, v10;
	v40 =	vld [tilespmem:s22+$0x6280];
	v12 =	vpop (erf)  }
0xad: {  	v10 =	vsub.f32 v32, v11;
	v21 =	vmul.f32 v41, v24;
	v23 =	vmul.f32 v15, v26;
	v15 =	vpop (erf)  }
0xae: {  	v11 =	vsub.f32 v33, v34;
	v27 =	vmul.f32 v37, v27;
	v26 =	vmul.f32 v12, v28;
	v24 =	vpop (erf)  }
0xaf: {  	v12 =	vsub.f32 v14, v36;
	v30 =	vmul.f32 v15, v30;
	v28 =	vmul.f32 v24, v31  }
0xb0: {  	v14 =	vsub.f32 v39, v42;
	v31 =	vmul.f32 v19, v19;
	v24 =	vmul.f32 v17, v17  }
0xb1: {  	v33 =	vmul.f32 v21, v21;
	v32 =	vmul.f32 v23, v23;
	v15 =	vsub.f32 v43, v40  }
0xb2: {  	v7 =	vshra.s32 v7, $0x17;
	v35 =	vmul.f32 v27, v27;
	v34 =	vmul.f32 v28, v28  }
0xb3: {  	v38 =	vsel vm0, $0x1, v0;
	v37 =	vmul.f32 v26, v26;
	v36 =	vmul.f32 v30, v30  }
0xb4: {  	v7 =	vadd.s32 v38, v7;
	v38 =	vmul.f32 $2.222222240e-01, v24;
	v39 =	vmul.f32 $2.222222240e-01, v34  }
0xb5: {  	v7 =	vadd.s32 $0xFFFFFF81, v7;
	v40 =	vmul.f32 $2.222222240e-01, v33;
	v41 =	vmul.f32 $2.222222240e-01, v31  }
0xb6: {  	v43 =	vmul.f32 $2.222222240e-01, v32;
	v42 =	vmul.f32 $2.222222240e-01, v36;
	v39 =	vadd.f32 $2.857142980e-01, v39  }
0xb7: {  	v44 =	vmul.f32 $2.222222240e-01, v37;
	v41 =	vadd.f32 $2.857142980e-01, v41;
	v38 =	vadd.f32 $2.857142980e-01, v38  }
0xb8: {  	v40 =	vadd.f32 $2.857142980e-01, v40;
	v42 =	vadd.f32 $2.857142980e-01, v42;
	v39 =	vmul.f32 v39, v34  }
0xb9: {  	v45 =	vmul.f32 $2.222222240e-01, v35;
	v44 =	vadd.f32 $2.857142980e-01, v44;
	v43 =	vadd.f32 $2.857142980e-01, v43  }
0xba: {  	v38 =	vmul.f32 v38, v24;
	v42 =	vmul.f32 v42, v36;
	v39 =	vadd.f32 $4.000000060e-01, v39  }
0xbb: {  	v45 =	vadd.f32 $2.857142980e-01, v45;
	v40 =	vmul.f32 v40, v33;
	v41 =	vmul.f32 v41, v31  }
0xbc: {  	v44 =	vmul.f32 v44, v37;
	v42 =	vadd.f32 $4.000000060e-01, v42;
	v39 =	vmul.f32 v39, v34;
	v46 =	vld [tilespmem:s22+$0x2280]  }
0xbd: {  	v45 =	vmul.f32 v45, v35;
	v41 =	vadd.f32 $4.000000060e-01, v41;
	v38 =	vadd.f32 $4.000000060e-01, v38;
	v47 =	vld [tilespmem:s22+$0x8280]  }
0xbe: {  	v44 =	vadd.f32 $4.000000060e-01, v44;
	v42 =	vmul.f32 v42, v36;
	v39 =	vadd.f32 $6.666666860e-01, v39;
	v48 =	vld [tilespmem:s22+$0x4180]  }
0xbf: {  	v43 =	vmul.f32 v43, v32;
	v45 =	vadd.f32 $4.000000060e-01, v45;
	v40 =	vadd.f32 $4.000000060e-01, v40;
	v49 =	vld [tilespmem:s22+$0xA180]  }
0xc0: {  	v34 =	vmul.f32 v39, v34;
	v39 =	vadd.f32 $6.666666860e-01, v42;
	v42 =	vmul.f32 v44, v37;
	v50 =	vld [tilespmem:s22+$0x200]  }
0xc1: {  	v43 =	vadd.f32 $4.000000060e-01, v43;
	v45 =	vmul.f32 v45, v35;
	v38 =	vmul.f32 v38, v24;
	v44 =	vld [tilespmem:s22+$0x6200]  }
0xc2: {  	v34 =	vadd.f32 $2.000000000e+00, v34;
	v36 =	vmul.f32 v39, v36;
	v39 =	vadd.f32 $6.666666860e-01, v42;
	v51 =	vld [tilespmem:s22+$0x2200]  }
0xc3: {  	v43 =	vmul.f32 v43, v32;
	v41 =	vmul.f32 v41, v31;
	v45 =	vadd.f32 $6.666666860e-01, v45;
	v42 =	vld [tilespmem:s22+$0x8200]  }
0xc4: {  	v28 =	vmul.f32 v34, v28;
	v34 =	vadd.f32 $2.000000000e+00, v36;
	v36 =	vmul.f32 v39, v37;
	v52 =	vld [tilespmem:s22+$0x4100]  }
0xc5: {  	v40 =	vmul.f32 v40, v33;
	v35 =	vmul.f32 v45, v35;
	v39 =	vadd.f32 $6.666666860e-01, v43;
	v37 =	vld [tilespmem:s22+$0xA100]  }
0xc6: {  	v28 =	vadd.f32 v28, v29;
	v29 =	vmul.f32 v34, v30;
	v30 =	vadd.f32 $2.000000000e+00, v36;
	v43 =	vld [tilespmem:s22+$0x180]  }
0xc7: {  	v35 =	vadd.f32 $2.000000000e+00, v35;
	v32 =	vmul.f32 v39, v32;
	v36 =	vadd.f32 $6.666666860e-01, v40;
	v34 =	vld [tilespmem:s22+$0x6180]  }
0xc8: {  	v4 =	vadd.f32 v28, v4;
	v25 =	vadd.f32 v29, v25;
	v26 =	vmul.f32 v30, v26;
	v39 =	vld [tilespmem:s22+$0x2180]  }
0xc9: {  	v29 =	vadd.f32 $2.000000000e+00, v32;
	v30 =	vmul.f32 v36, v33;
	v32 =	vadd.f32 $6.666666860e-01, v41;
	v28 =	vld [tilespmem:s22+$0x8180]  }
0xca: {  	v4 =	vadd.f32 v25, v4;
	v22 =	vadd.f32 v26, v22;
	v25 =	vmul.f32 v35, v27;
	v33 =	vld [tilespmem:s22+$0x4080]  }
0xcb: {  	v27 =	vadd.f32 $2.000000000e+00, v30;
	v30 =	vmul.f32 v32, v31;
	v31 =	vadd.f32 $6.666666860e-01, v38;
	v26 =	vld [tilespmem:s22+$0xA080]  }
0xcc: {  	v4 =	vadd.f32 v22, v4;
	v20 =	vadd.f32 v25, v20;
	v22 =	vmul.f32 v29, v23;
	v32 =	vld [tilespmem:s22+$0x100]  }
0xcd: {  	v16 =	vmul.f32 $6.931471820e-01, v16;
	v25 =	vadd.f32 $2.000000000e+00, v30;
	v24 =	vmul.f32 v31, v24;
	v23 =	vld [tilespmem:s22+$0x6100]  }
0xce: {  	v4 =	vadd.f32 v20, v4;
	v18 =	vadd.f32 v22, v18;
	v20 =	vmul.f32 v27, v21;
	v29 =	vld [tilespmem:s22+$0x2100]  }
0xcf: {  	v13 =	vmul.f32 $6.931471820e-01, v13;
	v7 =	vcvt.s32.f32 v7;
	v22 =	vadd.f32 $2.000000000e+00, v24;
	v21 =	vld [tilespmem:s22+$0x8100]  }
0xd0: {  	v4 =	vadd.f32 v18, v4;
	v16 =	vadd.f32 v20, v16;
	v18 =	vmul.f32 v25, v19;
	v24 =	vld [tilespmem:s22+$0x4000]  }
0xd1: {  	v7 =	vmul.f32 $6.931471820e-01, v7;
	v20 =	vsub.f32 v48, v49;
	v25 =	vsub.f32 v46, v47;
	v19 =	vld [tilespmem:s22+$0xA000]  }
0xd2: {  	v4 =	vadd.f32 v16, v4;
	v13 =	vadd.f32 v18, v13;
	v16 =	vmul.f32 v22, v17;
	v27 =	vld [tilespmem:s22+$0x80]  }
0xd3: {  	v18 =	vsub.f32 v50, v44;
	v22 =	vsub.f32 v51, v42;
	v17 =	vld [tilespmem:s22+$0x6080]  }
0xd4: {  	v4 =	vadd.f32 v13, v4;
	v7 =	vadd.f32 v16, v7;
	v30 =	vld [tilespmem:s22+$0x2080]  }
0xd5: {  	v31 =	vsub.f32 v43, v34;
	v16 =	vsub.f32 v52, v37;
	v13 =	vld [tilespmem:s22+$0x8080]  }
0xd6: {  	v28 =	vsub.f32 v39, v28;
	v4 =	vadd.f32 v7, v4;
	v34 =	vld [tilespmem:s22+$0x0]  }
0xd7: {  	v5 =	vmul.f32 v5, v5;
	v6 =	vmul.f32 v6, v6;
	v26 =	vsub.f32 v33, v26;
	v7 =	vld [tilespmem:s22+$0x6000]  }
0xd8: {  	v8 =	vmul.f32 v8, v8;
	v9 =	vmul.f32 v9, v9;
	v23 =	vsub.f32 v32, v23;
	v33 =	vld [tilespmem:s22+$0x2000]  }
0xd9: {  	v10 =	vmul.f32 v10, v10;
	v11 =	vmul.f32 v11, v11;
	v21 =	vsub.f32 v29, v21;
	v32 =	vld [tilespmem:s22+$0x8000]  }
0xda: {  	v12 =	vmul.f32 v12, v12;
	v14 =	vmul.f32 v14, v14;
	v19 =	vsub.f32 v24, v19  }
0xdb: {  	v15 =	vmul.f32 v15, v15;
	v24 =	vmul.f32 v25, v25;
	v17 =	vsub.f32 v27, v17  }
0xdc: {  	v18 =	vmul.f32 v18, v18;
	v22 =	vmul.f32 v22, v22;
	v13 =	vsub.f32 v30, v13  }
0xdd: {  	v25 =	vmul.f32 v31, v31;
	v27 =	vmul.f32 v28, v28;
	v7 =	vsub.f32 v34, v7  }
0xde: {  	v23 =	vmul.f32 v23, v23;
	v21 =	vmul.f32 v21, v21;
	v28 =	vsub.f32 v33, v32  }
0xdf: {  	v8 =	vadd.f32 v9, v8;
	v17 =	vmul.f32 v17, v17;
	v13 =	vmul.f32 v13, v13  }
0xe0: {  	v11 =	vadd.f32 v12, v11;
	v15 =	vadd.f32 v24, v15;
	v7 =	vmul.f32 v7, v7  }
0xe1: {  	v18 =	vadd.f32 v22, v18;
	v12 =	vadd.f32 v27, v25;
	v9 =	vmul.f32 v28, v28  }
0xe2: {  	v20 =	vmul.f32 v20, v20;
	v13 =	vadd.f32 v13, v17;
	v17 =	vadd.f32 v21, v23  }
0xe3: {  	v21 =	vadd.f32 v9, v7;
	v7 =	vmul.f32 v16, v16;
	v9 =	vadd.f32 v5, v8  }
0xe4: {  	v10 =	vadd.f32 v10, v15;
	v5 =	vmul.f32 v26, v26;
	v8 =	vadd.f32 v6, v11  }
0xe5: {  	v15 =	vmul.f32 v19, v19;
	v11 =	vadd.f32 v20, v12;
	v12 =	vadd.f32 v14, v18  }
0xe6: {  	v6 =	vadd.f32 v7, v17;
	v14 =	vmul.f32 v8, v2;
	v16 =	vmul.f32 v9, v2  }
0xe7: {  	v7 =	vadd.f32 v5, v13;
	v13 =	vmul.f32 v12, v2;
	v17 =	vmul.f32 v10, v2  }
0xe8: {  	v5 =	vadd.f32 v15, v21;
	v18 =	vmul.f32 v11, v2;
	v15 =	vmul.f32 v6, v2  }
0xe9: {  	v19 =	vmul.f32 v7, v2;
	v16 =	vmul.f32 $1.442695020e+00, v16  }
0xea: {  	v20 =	vmul.f32 v5, v2;
	v14 =	vmul.f32 $1.442695020e+00, v14  }
0xeb: {  	v17 =	vmul.f32 $1.442695020e+00, v17;
	(erf) = vpow2.f32 v16  }
0xec: {  	v13 =	vmul.f32 $1.442695020e+00, v13;
	(erf) = vpow2.f32 v14  }
0xed: {  	v14 =	vmul.f32 $1.442695020e+00, v18;
	(erf) = vpow2.f32 v17  }
0xee: {  	v15 =	vmul.f32 $1.442695020e+00, v15;
	(erf) = vpow2.f32 v13  }
0xef: {  	v13 =	vmul.f32 $1.442695020e+00, v19;
	(erf) = vpow2.f32 v14  }
.Ltmp0:
0xf0: {  	v14 =	vmul.f32 $1.442695020e+00, v20;
	(erf) = vpow2.f32 v15;
	(pc) =	sbr.rel @p1 .LBB2_3-.Ltmp0, $3  }
0xf1: {  	(erf) = vpow2.f32 v13  }
0xf2: {  	(erf) = vpow2.f32 v14;
	_ =	sdelay $0x1  }
0xf3: {  	s21 =	sadd.s32 $0x10, s21;
	v13 =	vpop (erf)  }
0xf4: {  	vm0 =	vlt.f32 v9, $3.038449400e-02;
	vm1 =	vlt.f32 v12, $3.038449400e-02  }
0xf5: {  	v14 =	vpop (erf);
	vm2 =	vlt.f32 v10, $3.038449400e-02;
	vm3 =	vlt.f32 v8, $3.038449400e-02;
	v53 =	vmul.f32 v13, v1  }
0xf6: {  	vm4 =	vlt.f32 v11, $3.038449400e-02;
	vm5 =	vlt.f32 v6, $3.038449400e-02;
	v50 =	vpop (erf);
	v52 =	vmul.f32 v14, v1  }
0xf7: {  	vm6 =	vlt.f32 v7, $3.038449400e-02;
	v51 =	vpop (erf);
	v55 =	vmul.f32 v50, v1;
	v11 =	vadd.f32 v53, v3  }
0xf8: {  	vm7 =	vlt.f32 v5, $3.038449400e-02;
	v54 =	vpop (erf);
	v6 =	vmul.f32 v51, v1;
	v10 =	vadd.f32 v52, v3  }
0xf9: {  	v56 =	vpop (erf);
	v57 =	vmul.f32 v54, v1;
	v8 =	vadd.f32 v55, v3;
	v5 =	vnsel vm0, $0x3F800000, v11  }
0xfa: {  	v7 =	vmul.f32 v56, v1;
	v58 =	vpop (erf);
	v6 =	vadd.f32 v6, v3;
	v10 =	vnsel vm3, $0x3F800000, v10  }
0xfb: {  	v20 =	vand.u32 $0x7FFFFF, v5;
	v12 =	vmul.f32 v58, v1;
	v9 =	vadd.f32 v57, v3  }
0xfc: {  	v59 =	vpop (erf);
	v8 =	vnsel vm2, $0x3F800000, v8;
	v63 =	vshra.s32 v10, $0x17;
	v10 =	vand.u32 $0x7FFFFF, v10  }
0xfd: {  	v20 =	vor.u32 $0x3F800000, v20;
	v13 =	vmul.f32 v59, v1;
	v7 =	vadd.f32 v7, v3  }
0xfe: {  	v6 =	vnsel vm1, $0x3F800000, v6;
	v62 =	vshra.s32 v8, $0x17;
	v8 =	vand.u32 $0x7FFFFF, v8  }
0xff: {  	v10 =	vor.u32 $0x3F800000, v10;
	vm9 =	vgt.f32 v20, $1.414213540e+00;
	v21 =	vmul.f32 $5.000000000e-01, v20  }
0x100: {  	v12 =	vadd.f32 v12, v3;
	v9 =	vnsel vm4, $0x3F800000, v9;
	v17 =	vshra.s32 v6, $0x17  }
0x101: {  	v6 =	vand.u32 $0x7FFFFF, v6;
	v8 =	vor.u32 $0x3F800000, v8;
	vm1 =	vgt.f32 v10, $1.414213540e+00  }
0x102: {  	v23 =	vmul.f32 $5.000000000e-01, v10;
	v13 =	vadd.f32 v13, v3;
	v7 =	vnsel vm5, $0x3F800000, v7  }
0x103: {  	v16 =	vshra.s32 v9, $0x17;
	v9 =	vand.u32 $0x7FFFFF, v9;
	v6 =	vor.u32 $0x3F800000, v6  }
0x104: {  	vm10 =	vgt.f32 v8, $1.414213540e+00;
	v22 =	vmul.f32 $5.000000000e-01, v8;
	v30 =	vsel vm1, $0x1, v0  }
0x105: {  	v20 =	vsel vm9, v21, v20;
	v60 =	vnsel vm6, $0x3F800000, v12;
	v15 =	vshra.s32 v7, $0x17  }
0x106: {  	v7 =	vand.u32 $0x7FFFFF, v7;
	v9 =	vor.u32 $0x3F800000, v9;
	vm12 =	vgt.f32 v6, $1.414213540e+00  }
0x107: {  	v24 =	vmul.f32 $5.000000000e-01, v6;
	v29 =	vsel vm10, $0x1, v0;
	v14 =	vadd.s32 v30, v63  }
0x108: {  	v10 =	vsel vm1, v23, v10;
	v20 =	vadd.f32 $-1.000000000e+00, v20;
	v61 =	vnsel vm7, $0x3F800000, v13  }
0x109: {  	v19 =	vshra.s32 v60, $0x17;
	v11 =	vand.u32 $0x7FFFFF, v60;
	v7 =	vor.u32 $0x3F800000, v7  }
0x10a: {  	vm11 =	vgt.f32 v9, $1.414213540e+00;
	v26 =	vmul.f32 $5.000000000e-01, v9;
	v33 =	vsel vm12, $0x1, v0  }
0x10b: {  	v13 =	vadd.s32 v29, v62;
	v8 =	vsel vm10, v22, v8;
	v10 =	vadd.f32 $-1.000000000e+00, v10  }
0x10c: {  	v14 =	vadd.s32 $0xFFFFFF81, v14;
	v18 =	vshra.s32 v61, $0x17;
	v12 =	vand.u32 $0x7FFFFF, v61  }
0x10d: {  	v11 =	vor.u32 $0x3F800000, v11;
	vm13 =	vgt.f32 v7, $1.414213540e+00;
	v25 =	vmul.f32 $5.000000000e-01, v7  }
0x10e: {  	v32 =	vsel vm11, $0x1, v0;
	v17 =	vadd.s32 v33, v17;
	v6 =	vsel vm12, v24, v6  }
0x10f: {  	v8 =	vadd.f32 $-1.000000000e+00, v8;
	v36 =	vadd.f32 $2.000000000e+00, v20;
	v13 =	vadd.s32 $0xFFFFFF81, v13  }
0x110: {  	v14 =	vcvt.s32.f32 v14;
	v12 =	vor.u32 $0x3F800000, v12;
	vm15 =	vgt.f32 v11, $1.414213540e+00  }
0x111: {  	v27 =	vmul.f32 $5.000000000e-01, v11;
	v31 =	vsel vm13, $0x1, v0;
	v16 =	vadd.s32 v32, v16  }
0x112: {  	v9 =	vsel vm11, v26, v9;
	v6 =	vadd.f32 $-1.000000000e+00, v6;
	v37 =	vadd.f32 $2.000000000e+00, v10  }
0x113: {  	v17 =	vadd.s32 $0xFFFFFF81, v17;
	vm14 =	vgt.f32 v12, $1.414213540e+00;
	v28 =	vmul.f32 $5.000000000e-01, v12  }
0x114: {  	v7 =	vsel vm13, v25, v7;
	v9 =	vadd.f32 $-1.000000000e+00, v9;
	v38 =	vadd.f32 $2.000000000e+00, v8  }
0x115: {  	(erf) = vrcp.f32 v36;
	v11 =	vsel vm15, v27, v11;
	v7 =	vadd.f32 $-1.000000000e+00, v7  }
0x116: {  	v39 =	vadd.f32 $2.000000000e+00, v6;
	(erf) = vrcp.f32 v37;
	v12 =	vsel vm14, v28, v12  }
0x117: {  	v11 =	vadd.f32 $-1.000000000e+00, v11;
	v40 =	vadd.f32 $2.000000000e+00, v9;
	(erf) = vrcp.f32 v38  }
0x118: {  	v12 =	vadd.f32 $-1.000000000e+00, v12;
	v41 =	vadd.f32 $2.000000000e+00, v7;
	(erf) = vrcp.f32 v39  }
0x119: {  	v13 =	vcvt.s32.f32 v13;
	v42 =	vadd.f32 $2.000000000e+00, v11;
	(erf) = vrcp.f32 v40  }
0x11a: {  	v35 =	vsel vm15, $0x1, v0;
	v43 =	vadd.f32 $2.000000000e+00, v12;
	(erf) = vrcp.f32 v41  }
0x11b: {  	v15 =	vadd.s32 v31, v15;
	v16 =	vadd.s32 $0xFFFFFF81, v16;
	(erf) = vrcp.f32 v42  }
0x11c: {  	v17 =	vcvt.s32.f32 v17;
	v34 =	vsel vm14, $0x1, v0;
	(erf) = vrcp.f32 v43  }
0x11d: {  	v19 =	vadd.s32 v35, v19;
	v15 =	vadd.s32 $0xFFFFFF81, v15;
	v16 =	vcvt.s32.f32 v16  }
0x11e: {  	v18 =	vadd.s32 v34, v18;
	v19 =	vadd.s32 $0xFFFFFF81, v19;
	v15 =	vcvt.s32.f32 v15;
	v44 =	vpop (erf)  }
0x11f: {  	v17 =	vmul.f32 $6.931471820e-01, v17;
	v18 =	vadd.s32 $0xFFFFFF81, v18;
	v19 =	vcvt.s32.f32 v19;
	v45 =	vpop (erf)  }
0x120: {  	v16 =	vmul.f32 $6.931471820e-01, v16;
	v18 =	vcvt.s32.f32 v18;
	v46 =	vpop (erf)  }
0x121: {  	v15 =	vmul.f32 $6.931471820e-01, v15;
	v19 =	vmul.f32 $6.931471820e-01, v19;
	v47 =	vpop (erf)  }
0x122: {  	v18 =	vmul.f32 $6.931471820e-01, v18;
	v20 =	vmul.f32 v44, v20;
	v48 =	vpop (erf)  }
0x123: {  	v10 =	vmul.f32 v45, v10;
	v8 =	vmul.f32 v46, v8;
	v49 =	vpop (erf)  }
0x124: {  	v22 =	vmul.f32 v20, v20;
	v6 =	vmul.f32 v47, v6;
	v50 =	vpop (erf)  }
0x125: {  	v21 =	vmul.f32 v10, v10;
	v9 =	vmul.f32 v48, v9;
	v51 =	vpop (erf)  }
0x126: {  	v24 =	vmul.f32 v8, v8;
	v12 =	vmul.f32 v51, v12  }
0x127: {  	v5 =	vshra.s32 v5, $0x17;
	v59 =	vmul.f32 $2.222222240e-01, v22;
	v7 =	vmul.f32 v49, v7  }
0x128: {  	v57 =	vsel vm9, $0x1, v0;
	v11 =	vmul.f32 v50, v11;
	v53 =	vmul.f32 v12, v12  }
0x129: {  	v5 =	vadd.s32 v57, v5;
	v52 =	vmul.f32 v6, v6;
	v61 =	vmul.f32 $2.222222240e-01, v21  }
0x12a: {  	v5 =	vadd.s32 $0xFFFFFF81, v5;
	v55 =	vmul.f32 v11, v11;
	v58 =	vmul.f32 $2.222222240e-01, v53  }
0x12b: {  	v54 =	vmul.f32 v9, v9;
	v60 =	vmul.f32 $2.222222240e-01, v24;
	v29 =	vadd.f32 $2.857142980e-01, v59  }
0x12c: {  	v56 =	vmul.f32 v7, v7;
	v62 =	vmul.f32 $2.222222240e-01, v55;
	v30 =	vadd.f32 $2.857142980e-01, v58  }
0x12d: {  	v63 =	vmul.f32 $2.222222240e-01, v52;
	v32 =	vadd.f32 $2.857142980e-01, v61;
	v31 =	vadd.f32 $2.857142980e-01, v60  }
0x12e: {  	v40 =	vmul.f32 $2.222222240e-01, v56;
	v33 =	vadd.f32 $2.857142980e-01, v62;
	v30 =	vmul.f32 v30, v53  }
0x12f: {  	v36 =	vmul.f32 $2.222222240e-01, v54;
	v29 =	vmul.f32 v29, v22;
	v34 =	vadd.f32 $2.857142980e-01, v63  }
0x130: {  	v35 =	vadd.f32 $2.857142980e-01, v40;
	v33 =	vmul.f32 v33, v55;
	v30 =	vadd.f32 $4.000000060e-01, v30  }
0x131: {  	v32 =	vmul.f32 v32, v21;
	v36 =	vadd.f32 $2.857142980e-01, v36;
	v31 =	vmul.f32 v31, v24  }
0x132: {  	v35 =	vmul.f32 v35, v56;
	v33 =	vadd.f32 $4.000000060e-01, v33;
	v30 =	vmul.f32 v30, v53  }
0x133: {  	v29 =	vadd.f32 $4.000000060e-01, v29;
	v32 =	vadd.f32 $4.000000060e-01, v32;
	v36 =	vmul.f32 v36, v54  }
0x134: {  	v35 =	vadd.f32 $4.000000060e-01, v35;
	v33 =	vmul.f32 v33, v55;
	v30 =	vadd.f32 $6.666666860e-01, v30  }
0x135: {  	v34 =	vmul.f32 v34, v52;
	v31 =	vadd.f32 $4.000000060e-01, v31;
	v36 =	vadd.f32 $4.000000060e-01, v36  }
0x136: {  	v42 =	vmul.f32 v35, v56;
	v41 =	vadd.f32 $6.666666860e-01, v33;
	v25 =	vmul.f32 v30, v53  }
0x137: {  	v29 =	vmul.f32 v29, v22;
	v34 =	vadd.f32 $4.000000060e-01, v34;
	v43 =	vmul.f32 v36, v54  }
0x138: {  	v44 =	vadd.f32 $6.666666860e-01, v42;
	v27 =	vmul.f32 v41, v55;
	v25 =	vadd.f32 $2.000000000e+00, v25  }
0x139: {  	v32 =	vmul.f32 v32, v21;
	v34 =	vmul.f32 v34, v52;
	v45 =	vadd.f32 $6.666666860e-01, v43  }
0x13a: {  	v47 =	vmul.f32 v44, v56;
	v46 =	vadd.f32 $2.000000000e+00, v27;
	v12 =	vmul.f32 v25, v12  }
0x13b: {  	v49 =	vmul.f32 v31, v24;
	v48 =	vadd.f32 $6.666666860e-01, v34;
	v26 =	vmul.f32 v45, v54  }
0x13c: {  	v50 =	vadd.f32 $2.000000000e+00, v47;
	v11 =	vmul.f32 v46, v11;
	v12 =	vadd.f32 v12, v18  }
0x13d: {  	v23 =	vmul.f32 v48, v52;
	v52 =	vadd.f32 $6.666666860e-01, v49;
	v51 =	vadd.f32 $2.000000000e+00, v26  }
0x13e: {  	v7 =	vmul.f32 v50, v7;
	v11 =	vadd.f32 v11, v19;
	v4 =	vadd.f32 v12, v4  }
0x13f: {  	v54 =	vmul.f32 v52, v24;
	v55 =	vadd.f32 $6.666666860e-01, v32;
	v53 =	vadd.f32 $2.000000000e+00, v23  }
0x140: {  	v9 =	vmul.f32 v51, v9;
	v7 =	vadd.f32 v7, v15;
	v4 =	vadd.f32 v11, v4  }
0x141: {  	v58 =	vadd.f32 $6.666666860e-01, v29;
	v56 =	vadd.f32 $2.000000000e+00, v54;
	v57 =	vmul.f32 v55, v21  }
0x142: {  	v6 =	vmul.f32 v53, v6;
	v4 =	vadd.f32 v7, v4;
	v7 =	vadd.f32 v9, v16  }
0x143: {  	v59 =	vmul.f32 $6.931471820e-01, v13;
	v61 =	vmul.f32 v58, v22;
	v60 =	vadd.f32 $2.000000000e+00, v57  }
0x144: {  	v6 =	vadd.f32 v6, v17;
	v4 =	vadd.f32 v7, v4;
	v7 =	vmul.f32 v56, v8  }
0x145: {  	v5 =	vcvt.s32.f32 v5;
	v62 =	vmul.f32 $6.931471820e-01, v14;
	v63 =	vadd.f32 $2.000000000e+00, v61  }
0x146: {  	v4 =	vadd.f32 v6, v4;
	v6 =	vadd.f32 v7, v59;
	v7 =	vmul.f32 v60, v10  }
0x147: {  	v5 =	vmul.f32 $6.931471820e-01, v5  }
.Ltmp1:
0x148: {  	v4 =	vadd.f32 v6, v4;
	v6 =	vadd.f32 v7, v62;
	v7 =	vmul.f32 v63, v20;
	(pc) =	sbr.rel @p0 .LBB2_2-.Ltmp1, $3  }
0x149: {  	_ = 	snop  }
0x14a: {  	v4 =	vadd.f32 v6, v4;
	v5 =	vadd.f32 v7, v5;
	_ =	sdelay $0x1  }
0x14b: {  	s20 =	simm.s32 $0x1;
	p1 =	por $0x0, $0x0;
	v4 =	vadd.f32 v5, v4  }
0x14c: {  	s19 =	sadd.s32 $0x1, s19  }
0x14d: {  	p0 =	sne.s32 s19, s9  }
.Ltmp2:
0x14e: {  	[tilespmem:$0xC100] =	vst v4;
	(pc) =	sbr.rel @p0 .LBB2_1-.Ltmp2, $4  }
0x14f: {  	[hbm4b:s8+s1] =	stream.linear.scatter [tilespmem:s18], [sflag:$0x1], $0x10, $0x38;
	[tilespmem:$0xC180] =	vst v63  }
0x150: {  	_ =	swait.ge [sflag:s11], $0x10  }
0x151: {  	[sflag:s11] =	ssyncset.done $0x0  }
0x152: {  	[sflag:s11] =	ssyncadd.s32 $0xFFFFFFF0  }
0x153: {  	_ =	sfence.sel $0x180000  }
0x154: {  	[bflag:$0x0] =	sbarrier.arrive $0xFFFF  }
0x155: {  	p0 =	sne.s32 s2, $0x0;
	_ =	strace $0x90000047  }
0x156: {  	s0 =	sadd.s32 @!p0 $0x100000, s0;
	[bflag:$0x2] =	sbarrier.arrive $0xFFFF  }
0x157: {  	[sflag:s0] =	ssyncadd.tile.s32 @!p0 $0x1;
	_ =	shalt  }
.Lfunc_end2:
_tile_overlayer_lowered:
.L_overlay_start_2:
0x158: {  	(tag) =	ssettag $0x2  }
0x159: {  	s0 =	rddreg [dreg:$0x0];
	s2 =	stileid.u32  }
0x15a: {  	s1 =	rddreg [dreg:$0x1];
	p0 =	sne.s32 s2, $0x0  }
0x15b: {  	s3 =	rddreg [dreg:$0x2];
	[bflag:$0x3] =	sbarrier.arrive $0xFFFF;
	s2 =	simm.s32 @!p0 $0x1C01  }
0x15c: {  	[timem:s3], [sflag:s2] =	dma.local @!p0 [hbm:s0], s1  }
0x15d: {  	s0 =	simm.s32 @!p0 $0x1  }
0x15e: {  	_ =	swait.ge @!p0 [sflag:s0], s1  }
0x15f: {  	s1 =	ssub.s32 @!p0 $0x0, s1;
	[sflag:s0] =	ssyncset.done @!p0 $0x0  }
0x160: {  	[sflag:s0] =	ssyncadd.s32 @!p0 s1  }
0x161: {  	[bflag:$0x3] =	sbarrier.arrive $0xFFFF  }
0x162: {  	_ =	shalt  }

</sc_bundles>
